<compile_context>
chip_gen: v7x
topology: tpu7x:2x2x1
jax: 0.10.2.dev20260603
libtpu: 0.0.44.dev20260713+nightly
codegen_flags: <defaults>
</compile_context>

<pallas_src>
import functools
import jax
import jax.numpy as jnp
from jax import lax
from jax.experimental import pallas as pl
from jax.experimental.pallas import tpu as pltpu
from jax.experimental.pallas import tpu_sc as plsc

try:
    _SC_INFO = plsc.get_sparse_core_info()
    _NC = _SC_INFO.num_cores
    _NS = _SC_INFO.num_subcores
except Exception:
    _NC, _NS = 2, 16
_NW = _NC * _NS

N = 10000
E = 320000
B = 16

_INTERPRET = False

_EB = 2560
_NEB = E // _EB



def _k1_body(x_ref, w1xt_ref, b1_ref, u_ref):
    xw = jnp.dot(x_ref[...], w1xt_ref[...], preferred_element_type=jnp.float32)
    u_ref[...] = xw + b1_ref[0:1, :]


def _k1(x, w1xt, b1r):
    nb = 1000
    return pl.pallas_call(
        _k1_body,
        grid=(N // nb,),
        in_specs=[
            pl.BlockSpec((nb, 128), lambda i: (i, 0)),
            pl.BlockSpec((128, 64), lambda i: (0, 0)),
            pl.BlockSpec((8, 64), lambda i: (0, 0)),
        ],
        out_specs=pl.BlockSpec((nb, 64), lambda i: (i, 0)),
        out_shape=jax.ShapeDtypeStruct((N, 64), jnp.float32),
        interpret=_INTERPRET,
    )(x, w1xt, b1r)



_ROWS = E // 128


def _sc1_body(u_hbm, p16_hbm, src_hbm, dst_hbm, ug_hbm, dp_hbm,
              idx_s, idx_d, ubuf, psbuf, pdbuf, sem_u, sem_s, sem_d):
    wid = lax.axis_index("s") * _NC + lax.axis_index("c")
    nrows = (_ROWS - wid + _NW - 1) // _NW

    def row_body(j, _):
        r = wid + j * _NW
        pltpu.sync_copy(src_hbm.at[r], idx_s)
        pltpu.sync_copy(dst_hbm.at[r], idx_d)
        cu = pltpu.async_copy(u_hbm.at[idx_s], ubuf, sem_u)
        cs = pltpu.async_copy(p16_hbm.at[idx_s], psbuf, sem_s)
        cd = pltpu.async_copy(p16_hbm.at[idx_d], pdbuf, sem_d)
        cu.wait()
        cs.wait()
        cd.wait()

        def e_body(e, _c):
            psbuf[e, :] = psbuf[e, :] - pdbuf[e, :]
            return 0

        lax.fori_loop(0, 128, e_body, 0)
        pltpu.sync_copy(ubuf, ug_hbm.at[pl.ds(r * 128, 128)])
        pltpu.sync_copy(psbuf, dp_hbm.at[pl.ds(r * 128, 128)])
        return 0

    lax.fori_loop(0, nrows, row_body, 0)


def _edge_pass1(u, pos16, src, dst):
    src2d = src.reshape(_ROWS, 128)
    dst2d = dst.reshape(_ROWS, 128)
    mesh = plsc.VectorSubcoreMesh(core_axis_name="c", subcore_axis_name="s")
    f = pl.kernel(
        _sc1_body,
        mesh=mesh,
        out_type=[
            jax.ShapeDtypeStruct((E, 64), jnp.float32),
            jax.ShapeDtypeStruct((E, 16), jnp.float32),
        ],
        scratch_types=[
            pltpu.VMEM((128,), jnp.int32),
            pltpu.VMEM((128,), jnp.int32),
            pltpu.VMEM((128, 64), jnp.float32),
            pltpu.VMEM((128, 16), jnp.float32),
            pltpu.VMEM((128, 16), jnp.float32),
            pltpu.SemaphoreType.DMA,
            pltpu.SemaphoreType.DMA,
            pltpu.SemaphoreType.DMA,
        ],
        compiler_params=pltpu.CompilerParams(use_tc_tiling_on_sc=False),
    )
    return f(u, pos16, src2d, dst2d)



def _h1_block(ug, dp, w1p16):
    pw = jnp.dot(dp, w1p16, preferred_element_type=jnp.float32)
    return jnp.maximum(ug + pw, 0.0)


def _k1b_body(ug_ref, dp_ref, w1p_ref, st_ref):
    h1 = _h1_block(ug_ref[...], dp_ref[...], w1p_ref[...])
    mean = jnp.mean(h1, axis=0, keepdims=True)
    d = h1 - mean
    m2 = jnp.sum(d * d, axis=0, keepdims=True)
    st_ref[...] = jnp.concatenate(
        [mean, m2, jnp.zeros((6, 64), jnp.float32)], axis=0)


def _k1b(ug, dp, w1p16):
    return pl.pallas_call(
        _k1b_body,
        grid=(_NEB,),
        in_specs=[
            pl.BlockSpec((_EB, 64), lambda i: (i, 0)),
            pl.BlockSpec((_EB, 16), lambda i: (i, 0)),
            pl.BlockSpec((16, 64), lambda i: (0, 0)),
        ],
        out_specs=pl.BlockSpec((8, 64), lambda i: (i, 0)),
        out_shape=jax.ShapeDtypeStruct((_NEB * 8, 64), jnp.float32),
        interpret=_INTERPRET,
    )(ug, dp, w1p16)


def _chan_combine(st, nfeat, nblk, per_blk):
    means = st.reshape(nblk, 8, nfeat)[:, 0, :]
    m2s = st.reshape(nblk, 8, nfeat)[:, 1, :]
    mu = jnp.mean(means, axis=0)
    m2 = jnp.sum(m2s, axis=0) + per_blk * jnp.sum((means - mu[None, :]) ** 2, axis=0)
    var = m2 / (nblk * per_blk)
    return mu, var



def _k2_body(ug_ref, dp_ref, w1p_ref, mu1_ref, sd1_ref, g1_ref, be1_ref,
             w2_ref, b2_ref, h2t_ref, st_ref):
    h1 = _h1_block(ug_ref[...], dp_ref[...], w1p_ref[...])
    h1n = g1_ref[0:1, :] * (h1 - mu1_ref[0:1, :]) / sd1_ref[0:1, :] + be1_ref[0:1, :]
    h2 = lax.dot_general(w2_ref[...], h1n, (((1,), (1,)), ((), ())),
                         preferred_element_type=jnp.float32)
    h2 = jnp.maximum(h2 + b2_ref[:, 0:1], 0.0)
    h2t_ref[...] = h2
    mean = jnp.mean(h2, axis=1, keepdims=True)
    d = h2 - mean
    m2 = jnp.sum(d * d, axis=1, keepdims=True)
    st_ref[...] = jnp.concatenate(
        [mean.T, m2.T, jnp.zeros((6, 128), jnp.float32)], axis=0)


def _k2(ug, dp, w1p16, mu1r, sd1r, g1r, be1r, w2, b2c):
    return pl.pallas_call(
        _k2_body,
        grid=(_NEB,),
        in_specs=[
            pl.BlockSpec((_EB, 64), lambda i: (i, 0)),
            pl.BlockSpec((_EB, 16), lambda i: (i, 0)),
            pl.BlockSpec((16, 64), lambda i: (0, 0)),
            pl.BlockSpec((8, 64), lambda i: (0, 0)),
            pl.BlockSpec((8, 64), lambda i: (0, 0)),
            pl.BlockSpec((8, 64), lambda i: (0, 0)),
            pl.BlockSpec((8, 64), lambda i: (0, 0)),
            pl.BlockSpec((128, 64), lambda i: (0, 0)),
            pl.BlockSpec((128, 8), lambda i: (0, 0)),
        ],
        out_specs=[
            pl.BlockSpec((128, _EB), lambda i: (0, i)),
            pl.BlockSpec((8, 128), lambda i: (i, 0)),
        ],
        out_shape=[
            jax.ShapeDtypeStruct((128, E), jnp.float32),
            jax.ShapeDtypeStruct((_NEB * 8, 128), jnp.float32),
        ],
        interpret=_INTERPRET,
    )(ug, dp, w1p16, mu1r, sd1r, g1r, be1r, w2, b2c)



_SM_CHUNK = 1280
_SM_NCH = E // _SM_CHUNK


def _sc3_body(h2t_hbm, dst_hbm, aggt_hbm,
              dstbuf, vb0, vb1, vb2, vb3, acc0, acc1, acc2, acc3, tmp):
    wid = lax.axis_index("s") * _NC + lax.axis_index("c")
    f0 = wid * 4
    accs = (acc0, acc1, acc2, acc3)
    vbs = (vb0, vb1, vb2, vb3)

    def init_body(i, _):
        neg = jnp.full((16,), -1.0, jnp.float32)
        for q in range(4):
            accs[q][pl.ds(i * 16, 16)] = neg
        return 0

    lax.fori_loop(0, N // 16, init_body, 0)

    ids = lax.iota(jnp.int32, 16)

    def chunk_body(k, _):
        base = k * _SM_CHUNK
        pltpu.sync_copy(dst_hbm.at[pl.ds(base, _SM_CHUNK)], dstbuf)
        for q in range(4):
            pltpu.sync_copy(h2t_hbm.at[f0 + q, pl.ds(base, _SM_CHUNK)], vbs[q])

        def group_body(g, _):
            idx = dstbuf[pl.ds(g * 16, 16)]
            vals = [vbs[q][pl.ds(g * 16, 16)] for q in range(4)]
            plsc.store_scatter(tmp, [idx], ids)
            r = plsc.load_gather(tmp, [idx])
            win = r == ids
            for q in range(4):
                old = plsc.load_gather(accs[q], [idx])
                plsc.store_scatter(accs[q], [idx],
                                   jnp.maximum(old, vals[q]), mask=win)
            nlose = plsc.all_reduce_population_count(~win)

            @pl.when(nlose[0] > 0)
            def _slow():
                def cond(act):
                    return jnp.max(act, axis=0) > 0

                def body(act):
                    m = act > 0
                    plsc.store_scatter(tmp, [idx], ids, mask=m)
                    rr = plsc.load_gather(tmp, [idx])
                    w2 = m & (rr == ids)
                    for q in range(4):
                        old = plsc.load_gather(accs[q], [idx])
                        plsc.store_scatter(accs[q], [idx],
                                           jnp.maximum(old, vals[q]), mask=w2)
                    return jnp.where(w2, 0, act.astype(jnp.int32))

                lax.while_loop(cond, body, jnp.where(win, 0, 1))

            return 0

        lax.fori_loop(0, _SM_CHUNK // 16, group_body, 0)
        return 0

    lax.fori_loop(0, _SM_NCH, chunk_body, 0)
    for q in range(4):
        pltpu.sync_copy(accs[q], aggt_hbm.at[f0 + q])


def _scatter_max(h2t, dst):
    mesh = plsc.VectorSubcoreMesh(core_axis_name="c", subcore_axis_name="s")
    f = pl.kernel(
        _sc3_body,
        mesh=mesh,
        out_type=jax.ShapeDtypeStruct((128, N), jnp.float32),
        scratch_types=[
            pltpu.VMEM((_SM_CHUNK,), jnp.int32),
            pltpu.VMEM((_SM_CHUNK,), jnp.float32),
            pltpu.VMEM((_SM_CHUNK,), jnp.float32),
            pltpu.VMEM((_SM_CHUNK,), jnp.float32),
            pltpu.VMEM((_SM_CHUNK,), jnp.float32),
            pltpu.VMEM((N,), jnp.float32),
            pltpu.VMEM((N,), jnp.float32),
            pltpu.VMEM((N,), jnp.float32),
            pltpu.VMEM((N,), jnp.float32),
            pltpu.VMEM((N,), jnp.int32),
        ],
        compiler_params=pltpu.CompilerParams(needs_layout_passes=False),
    )
    return f(h2t, dst)



def _k3_body(aggt_ref, p16t_ref, mu2_ref, sd2_ref, g2_ref, be2_ref,
             w3a_ref, w3p_ref, b3_ref, pt_ref, st_ref):
    aggt = aggt_ref[...]
    aggf = jnp.where(aggt < 0.0, 0.0,
                     g2_ref[:, 0:1] * (aggt - mu2_ref[:, 0:1]) / sd2_ref[:, 0:1]
                     + be2_ref[:, 0:1])
    p = jnp.dot(w3a_ref[...], aggf, preferred_element_type=jnp.float32)
    p = p + jnp.dot(w3p_ref[...], p16t_ref[...], preferred_element_type=jnp.float32)
    p = jnp.maximum(p + b3_ref[:, 0:1], 0.0)
    pt_ref[...] = p
    mean = jnp.mean(p, axis=1, keepdims=True)
    d = p - mean
    var = jnp.mean(d * d, axis=1, keepdims=True)
    st_ref[...] = jnp.concatenate(
        [mean.T, var.T, jnp.zeros((6, 128), jnp.float32)], axis=0)


def _k3(aggt, pos16t, mu2c, sd2c, g2c, be2c, w3a, w3p16, b3c):
    return pl.pallas_call(
        _k3_body,
        in_specs=[
            pl.BlockSpec((128, N), lambda: (0, 0)),
            pl.BlockSpec((16, N), lambda: (0, 0)),
            pl.BlockSpec((128, 8), lambda: (0, 0)),
            pl.BlockSpec((128, 8), lambda: (0, 0)),
            pl.BlockSpec((128, 8), lambda: (0, 0)),
            pl.BlockSpec((128, 8), lambda: (0, 0)),
            pl.BlockSpec((128, 128), lambda: (0, 0)),
            pl.BlockSpec((128, 16), lambda: (0, 0)),
            pl.BlockSpec((128, 8), lambda: (0, 0)),
        ],
        out_specs=[
            pl.BlockSpec((128, N), lambda: (0, 0)),
            pl.BlockSpec((8, 128), lambda: (0, 0)),
        ],
        out_shape=[
            jax.ShapeDtypeStruct((128, N), jnp.float32),
            jax.ShapeDtypeStruct((8, 128), jnp.float32),
        ],
        interpret=_INTERPRET,
    )(aggt, pos16t, mu2c, sd2c, g2c, be2c, w3a, w3p16, b3c)



def _k4_body(pt_ref, bm_ref, gm_ref):
    pt = pt_ref[...]
    rows = []
    for b in range(B):
        sel = jnp.where(bm_ref[b:b + 1, :] > 0.5, pt, -1.0)
        rows.append(jnp.max(sel, axis=1)[None, :])
    gm_ref[...] = jnp.concatenate(rows, axis=0)


def _k4(pt, bmask):
    return pl.pallas_call(
        _k4_body,
        in_specs=[
            pl.BlockSpec((128, N), lambda: (0, 0)),
            pl.BlockSpec((B, N), lambda: (0, 0)),
        ],
        out_specs=pl.BlockSpec((B, 128), lambda: (0, 0)),
        out_shape=jax.ShapeDtypeStruct((B, 128), jnp.float32),
        interpret=_INTERPRET,
    )(pt, bmask)



def _k5_body(gm_ref, mu3_ref, sd3_ref, g3_ref, be3_ref, w4t_ref, b4_ref,
             g4_ref, be4_ref, w5t_ref, b5_ref, out_ref):
    gm = gm_ref[...]
    gfeat = jnp.where(gm < 0.0, 0.0,
                      g3_ref[0:1, :] * (gm - mu3_ref[0:1, :]) / sd3_ref[0:1, :]
                      + be3_ref[0:1, :])
    h4 = jnp.dot(gfeat, w4t_ref[...], preferred_element_type=jnp.float32)
    h4 = jnp.maximum(h4 + b4_ref[0:1, :], 0.0)
    mu = jnp.mean(h4, axis=0, keepdims=True)
    d = h4 - mu
    var = jnp.mean(d * d, axis=0, keepdims=True)
    h4n = g4_ref[0:1, :] * d / jnp.sqrt(var + 1e-5) + be4_ref[0:1, :]
    z = jnp.dot(h4n, w5t_ref[...], preferred_element_type=jnp.float32) + b5_ref[0:1, :10]
    out_ref[...] = jnp.maximum(z, 0.0) + jnp.log1p(jnp.exp(-jnp.abs(z)))


def _k5(gm, mu3r, sd3r, g3r, be3r, w4t, b4r, g4r, be4r, w5t, b5r):
    args = (gm, mu3r, sd3r, g3r, be3r, w4t, b4r, g4r, be4r, w5t, b5r)
    return pl.pallas_call(
        _k5_body,
        in_specs=[pl.BlockSpec(a.shape, lambda: (0, 0)) for a in args],
        out_specs=pl.BlockSpec((B, 10), lambda: (0, 0)),
        out_shape=jax.ShapeDtypeStruct((B, 10), jnp.float32),
        interpret=_INTERPRET,
    )(*args)


def _r8(vec):
    return jnp.broadcast_to(vec[None, :], (8, vec.shape[0]))


def _c8(vec):
    return jnp.broadcast_to(vec[:, None], (vec.shape[0], 8))


def kernel(x, pos, edge_index, batch, W1, b1, g1, be1, W2, b2, g2, be2,
           W3, b3, g3, be3, W4, b4, g4, be4, W5, b5):
    src = edge_index[0]
    dst = edge_index[1]
    pos16 = jnp.pad(pos, ((0, 0), (0, 13)))
    w1xt = W1[:, :128].T
    w1p16 = jnp.pad(W1[:, 128:].T, ((0, 13), (0, 0)))

    u = _k1(x, w1xt, _r8(b1))
    ug, dp = _edge_pass1(u, pos16, src, dst)

    st1 = _k1b(ug, dp, w1p16)
    mu1, var1 = _chan_combine(st1, 64, _NEB, _EB)
    sd1 = jnp.sqrt(var1 + 1e-5)

    h2t, st2 = _k2(ug, dp, w1p16, _r8(mu1), _r8(sd1), _r8(g1), _r8(be1),
                   W2, _c8(b2))
    mu2, var2 = _chan_combine(st2, 128, _NEB, _EB)
    sd2 = jnp.sqrt(var2 + 1e-5)

    aggt = _scatter_max(h2t, dst)

    pt, st3 = _k3(aggt, pos16.T, _c8(mu2), _c8(sd2), _c8(g2), _c8(be2),
                  W3[:, :128], jnp.pad(W3[:, 128:], ((0, 0), (0, 13))), _c8(b3))
    mu3 = st3[0]
    sd3 = jnp.sqrt(st3[1] + 1e-5)

    bmask = (batch[None, :] == jnp.arange(B, dtype=jnp.int32)[:, None]).astype(jnp.float32)
    gm = _k4(pt, bmask)

    out = _k5(gm, _r8(mu3), _r8(sd3), _r8(g3), _r8(be3), W4.T, _r8(b4),
              _r8(g4), _r8(be4), W5.T, _r8(jnp.pad(b5, (0, 6))))
    return out

# --- scband reference (transcript-rebuilt; emitter-appended) ---
"""Pipeline reference for scband-gnn1layer-re-lhe-32658931319627 (READ-ONLY COPY).

The authoritative reference and input builder live on the scoring server;
editing this copy changes nothing except your own understanding.
"""

import jax, jax.numpy as jnp
import numpy as np

N = 10000
E = 320000
FEA = 128
B = 16
CLA = 10


def _bn(h, g, b):
    mu = jnp.mean(h, axis=0)
    var = jnp.mean((h - mu) ** 2, axis=0)
    return g * (h - mu) / jnp.sqrt(var + 1e-5) + b


def setup_inputs(seed: int = 0) -> dict:
    key = jax.random.key(seed)
    ks = jax.random.split(key, 24)
    x = jax.random.normal(ks[0], (N, FEA), dtype=jnp.float32)
    pos = jax.random.normal(ks[1], (N, 3), dtype=jnp.float32)
    edge_index = jax.random.randint(ks[2], (2, E), 0, N, dtype=jnp.int32)
    batch = jnp.sort(jax.random.randint(ks[3], (N,), 0, B, dtype=jnp.int32))
    s = 0.05
    W1 = jax.random.normal(ks[4], (64, FEA + 3), dtype=jnp.float32) * s
    b1 = jnp.zeros((64,), jnp.float32)
    g1 = jnp.ones((64,), jnp.float32)
    be1 = jnp.zeros((64,), jnp.float32)
    W2 = jax.random.normal(ks[5], (128, 64), dtype=jnp.float32) * s
    b2 = jnp.zeros((128,), jnp.float32)
    g2 = jnp.ones((128,), jnp.float32)
    be2 = jnp.zeros((128,), jnp.float32)
    W3 = jax.random.normal(ks[6], (128, 128 + 3), dtype=jnp.float32) * s
    b3 = jnp.zeros((128,), jnp.float32)
    g3 = jnp.ones((128,), jnp.float32)
    be3 = jnp.zeros((128,), jnp.float32)
    W4 = jax.random.normal(ks[7], (64, 128), dtype=jnp.float32) * s
    b4 = jnp.zeros((64,), jnp.float32)
    g4 = jnp.ones((64,), jnp.float32)
    be4 = jnp.zeros((64,), jnp.float32)
    W5 = jax.random.normal(ks[8], (CLA, 64), dtype=jnp.float32) * s
    b5 = jnp.zeros((CLA,), jnp.float32)
    return {"x": x, "pos": pos, "edge_index": edge_index, "batch": batch,
            "W1": W1, "b1": b1, "g1": g1, "be1": be1,
            "W2": W2, "b2": b2, "g2": g2, "be2": be2,
            "W3": W3, "b3": b3, "g3": g3, "be3": be3,
            "W4": W4, "b4": b4, "g4": g4, "be4": be4,
            "W5": W5, "b5": b5}


def reference(x, pos, edge_index, batch, W1, b1, g1, be1, W2, b2, g2, be2, W3, b3, g3, be3, W4, b4, g4, be4, W5, b5):
    src = edge_index[0]
    dst = edge_index[1]
    # PointConvNet: per-edge message MLP([fea+3, 64, 128]) on [x_j, pos_j - pos_i], max-aggregate at dst
    m = jnp.concatenate([jnp.take(x, src, axis=0), jnp.take(pos, src, axis=0) - jnp.take(pos, dst, axis=0)], axis=1)
    h = _bn(jax.nn.relu(m @ W1.T + b1), g1, be1)
    h = _bn(jax.nn.relu(h @ W2.T + b2), g2, be2)
    agg = jax.ops.segment_max(h, dst, num_segments=N)
    agg = jnp.where(jnp.isneginf(agg), 0.0, agg)
    # PoolingNet: MLP([128+3, 128]) on [node_feat, pos], then global max pool per graph
    p = jnp.concatenate([agg, pos], axis=1)
    p = _bn(jax.nn.relu(p @ W3.T + b3), g3, be3)
    gfeat = jax.ops.segment_max(p, batch, num_segments=B)
    gfeat = jnp.where(jnp.isneginf(gfeat), 0.0, gfeat)
    # fc head: Linear-ReLU-BN-Dropout(eval: identity)-Linear-Softplus
    h = _bn(jax.nn.relu(gfeat @ W4.T + b4), g4, be4)
    out = jax.nn.softplus(h @ W5.T + b5)
    return out

if __name__ == "__main__":
    import jax
    _d = setup_inputs()
    print(jax.jit(kernel)(*tuple(_d.values())))

</pallas_src>

<mosaic_0001>
#map = affine_map<(d0, d1) -> (0, 0)>
#map1 = affine_map<(d0, d1) -> (0)>
module attributes {stable_mosaic.version = 14 : i64} {
  func.func @_sc3_body(%arg0: i32, %arg1: i32, %arg2: memref<128x320000xf32, #tpu.memory_space<hbm>>, %arg3: memref<320000xi32, #tpu.memory_space<hbm>>, %arg4: memref<128x10000xf32, #tpu.memory_space<hbm>>, %arg5: memref<1280xi32, #tpu.memory_space<vmem>>, %arg6: memref<1280xf32, #tpu.memory_space<vmem>>, %arg7: memref<1280xf32, #tpu.memory_space<vmem>>, %arg8: memref<1280xf32, #tpu.memory_space<vmem>>, %arg9: memref<1280xf32, #tpu.memory_space<vmem>>, %arg10: memref<10000xf32, #tpu.memory_space<vmem>>, %arg11: memref<10000xf32, #tpu.memory_space<vmem>>, %arg12: memref<10000xf32, #tpu.memory_space<vmem>>, %arg13: memref<10000xf32, #tpu.memory_space<vmem>>, %arg14: memref<10000xi32, #tpu.memory_space<vmem>>) attributes {dimension_semantics = [#tpu.dimension_semantics<core_parallel>, #tpu.dimension_semantics<subcore_parallel>], iteration_bounds = array<i64: 2, 16>, scalar_prefetch = 0 : i64, scratch_operands = 10 : i64, tpu.core_type = #tpu.core_type<sc_vector_subcore>, window_params = [{transform_indices = #map}, {transform_indices = #map1}, {transform_indices = #map}]} {
    %mul3A = arith.constant 2 : i32
    %mul3A_0 = arith.muli %arg1, %mul3A : i32
    %add3A = arith.addi %mul3A_0, %arg0 : i32
    %mul3A_1 = arith.constant 4 : i32
    %mul3A_2 = arith.muli %add3A, %mul3A_1 : i32
    %scan3A = arith.constant 0 : i32
    %scan3A_3 = arith.constant 0 : i32
    %scan3A_4 = arith.constant 625 : i32
    %scan3A_5 = arith.addi %scan3A_3, %scan3A_4 : i32
    %scan3A_6 = arith.constant 1 : i32
    %scan3A_7 = scf.for %scan3A_24 = %scan3A_3 to %scan3A_5 step %scan3A_6 iter_args(%scan3A_25 = %scan3A) -> (i32)  : i32 {
      %broadcast_in_dim3A = arith.constant -1.000000e+00 : f32
      %broadcast_in_dim3A_26 = vector.broadcast %broadcast_in_dim3A : f32 to vector<16xf32>
      %mul3A_27 = arith.constant 16 : i32
      %mul3A_28 = arith.muli %scan3A_24, %mul3A_27 : i32
      %swap3A = arith.index_cast %mul3A_28 : i32 to index
      %swap3A_29 = tpu.vector_load %arg10[%swap3A] {strides = array<i32>} : memref<10000xf32, #tpu.memory_space<vmem>>, vector<16xf32>,
      tpu.vector_store %arg10[%swap3A], %broadcast_in_dim3A_26 {strides = array<i32>} : memref<10000xf32, #tpu.memory_space<vmem>>, vector<16xf32>,
      %mul3A_30 = arith.constant 16 : i32
      %mul3A_31 = arith.muli %scan3A_24, %mul3A_30 : i32
      %swap3A_32 = arith.index_cast %mul3A_31 : i32 to index
      %swap3A_33 = tpu.vector_load %arg11[%swap3A_32] {strides = array<i32>} : memref<10000xf32, #tpu.memory_space<vmem>>, vector<16xf32>,
      tpu.vector_store %arg11[%swap3A_32], %broadcast_in_dim3A_26 {strides = array<i32>} : memref<10000xf32, #tpu.memory_space<vmem>>, vector<16xf32>,
      %mul3A_34 = arith.constant 16 : i32
      %mul3A_35 = arith.muli %scan3A_24, %mul3A_34 : i32
      %swap3A_36 = arith.index_cast %mul3A_35 : i32 to index
      %swap3A_37 = tpu.vector_load %arg12[%swap3A_36] {strides = array<i32>} : memref<10000xf32, #tpu.memory_space<vmem>>, vector<16xf32>,
      tpu.vector_store %arg12[%swap3A_36], %broadcast_in_dim3A_26 {strides = array<i32>} : memref<10000xf32, #tpu.memory_space<vmem>>, vector<16xf32>,
      %mul3A_38 = arith.constant 16 : i32
      %mul3A_39 = arith.muli %scan3A_24, %mul3A_38 : i32
      %swap3A_40 = arith.index_cast %mul3A_39 : i32 to index
      %swap3A_41 = tpu.vector_load %arg13[%swap3A_40] {strides = array<i32>} : memref<10000xf32, #tpu.memory_space<vmem>>, vector<16xf32>,
      tpu.vector_store %arg13[%swap3A_40], %broadcast_in_dim3A_26 {strides = array<i32>} : memref<10000xf32, #tpu.memory_space<vmem>>, vector<16xf32>,
      %scan3A_42 = arith.constant 0 : i32
      scf.yield %scan3A_42 : i32
    }
    %scan3A_8 = arith.constant 625 : i32
    %iota3A = tpu.iota {dimensions = array<i32: 0>} : vector<16xi32>
    %scan3A_9 = arith.constant 0 : i32
    %scan3A_10 = arith.constant 0 : i32
    %scan3A_11 = arith.constant 250 : i32
    %scan3A_12 = arith.addi %scan3A_10, %scan3A_11 : i32
    %scan3A_13 = arith.constant 1 : i32
    %scan3A_14 = scf.for %scan3A_24 = %scan3A_10 to %scan3A_12 step %scan3A_13 iter_args(%scan3A_25 = %scan3A_9) -> (i32)  : i32 {
      %mul3A_26 = arith.constant 1280 : i32
      %mul3A_27 = arith.muli %scan3A_24, %mul3A_26 : i32
      "tpu.region"() ({
        %run_scoped3A = tpu.sem_alloc : memref<!tpu.dma_semaphore, #tpu.memory_space<semaphore_mem>>
        %dma_start3A = tpu.memref_slice %arg3[%mul3A_27] : memref<320000xi32, #tpu.memory_space<hbm>> -> memref<1280xi32, #tpu.memory_space<hbm>>
        %dma_start3A_44 = tpu.memref_slice %arg3[%mul3A_27] : memref<320000xi32, #tpu.memory_space<hbm>> -> memref<1280xi32, #tpu.memory_space<hbm>>
        tpu.enqueue_dma source(%dma_start3A_44 : memref<1280xi32, #tpu.memory_space<hbm>>) target(%arg5 : memref<1280xi32, #tpu.memory_space<vmem>>) target_semaphore(%run_scoped3A : memref<!tpu.dma_semaphore, #tpu.memory_space<semaphore_mem>>)
        %dma_wait3A = tpu.memref_slice %arg3[%mul3A_27] : memref<320000xi32, #tpu.memory_space<hbm>> -> memref<1280xi32, #tpu.memory_space<hbm>>
        %dma_wait3A_45 = tpu.memref_slice %arg3[%mul3A_27] : memref<320000xi32, #tpu.memory_space<hbm>> -> memref<1280xi32, #tpu.memory_space<hbm>>
        tpu.wait_dma2 semaphore(%run_scoped3A : memref<!tpu.dma_semaphore, #tpu.memory_space<semaphore_mem>>) src(%dma_wait3A_45 : memref<1280xi32, #tpu.memory_space<hbm>>) dst(%arg5 : memref<1280xi32, #tpu.memory_space<vmem>>)
        tpu.yield
      }) : () -> ()
      %add3A_28 = arith.constant 0 : i32
      %add3A_29 = arith.addi %mul3A_2, %add3A_28 : i32
      "tpu.region"() ({
        %run_scoped3A = tpu.sem_alloc : memref<!tpu.dma_semaphore, #tpu.memory_space<semaphore_mem>>
        %dma_start3A = tpu.memref_slice %arg2[%add3A_29, %mul3A_27] : memref<128x320000xf32, #tpu.memory_space<hbm>> -> memref<1x1280xf32, #tpu.memory_space<hbm>>
        %dma_start3A_44 = tpu.memref_squeeze %dma_start3A : memref<1x1280xf32, #tpu.memory_space<hbm>> -> memref<1280xf32, #tpu.memory_space<hbm>>
        %dma_start3A_45 = tpu.memref_slice %arg2[%add3A_29, %mul3A_27] : memref<128x320000xf32, #tpu.memory_space<hbm>> -> memref<1x1280xf32, #tpu.memory_space<hbm>>
        %dma_start3A_46 = tpu.memref_squeeze %dma_start3A_45 : memref<1x1280xf32, #tpu.memory_space<hbm>> -> memref<1280xf32, #tpu.memory_space<hbm>>
        tpu.enqueue_dma source(%dma_start3A_46 : memref<1280xf32, #tpu.memory_space<hbm>>) target(%arg6 : memref<1280xf32, #tpu.memory_space<vmem>>) target_semaphore(%run_scoped3A : memref<!tpu.dma_semaphore, #tpu.memory_space<semaphore_mem>>)
        %dma_wait3A = tpu.memref_slice %arg2[%add3A_29, %mul3A_27] : memref<128x320000xf32, #tpu.memory_space<hbm>> -> memref<1x1280xf32, #tpu.memory_space<hbm>>
        %dma_wait3A_47 = tpu.memref_squeeze %dma_wait3A : memref<1x1280xf32, #tpu.memory_space<hbm>> -> memref<1280xf32, #tpu.memory_space<hbm>>
        %dma_wait3A_48 = tpu.memref_slice %arg2[%add3A_29, %mul3A_27] : memref<128x320000xf32, #tpu.memory_space<hbm>> -> memref<1x1280xf32, #tpu.memory_space<hbm>>
        %dma_wait3A_49 = tpu.memref_squeeze %dma_wait3A_48 : memref<1x1280xf32, #tpu.memory_space<hbm>> -> memref<1280xf32, #tpu.memory_space<hbm>>
        tpu.wait_dma2 semaphore(%run_scoped3A : memref<!tpu.dma_semaphore, #tpu.memory_space<semaphore_mem>>) src(%dma_wait3A_49 : memref<1280xf32, #tpu.memory_space<hbm>>) dst(%arg6 : memref<1280xf32, #tpu.memory_space<vmem>>)
        tpu.yield
      }) : () -> ()
      %add3A_30 = arith.constant 1 : i32
      %add3A_31 = arith.addi %mul3A_2, %add3A_30 : i32
      "tpu.region"() ({
        %run_scoped3A = tpu.sem_alloc : memref<!tpu.dma_semaphore, #tpu.memory_space<semaphore_mem>>
        %dma_start3A = tpu.memref_slice %arg2[%add3A_31, %mul3A_27] : memref<128x320000xf32, #tpu.memory_space<hbm>> -> memref<1x1280xf32, #tpu.memory_space<hbm>>
        %dma_start3A_44 = tpu.memref_squeeze %dma_start3A : memref<1x1280xf32, #tpu.memory_space<hbm>> -> memref<1280xf32, #tpu.memory_space<hbm>>
        %dma_start3A_45 = tpu.memref_slice %arg2[%add3A_31, %mul3A_27] : memref<128x320000xf32, #tpu.memory_space<hbm>> -> memref<1x1280xf32, #tpu.memory_space<hbm>>
        %dma_start3A_46 = tpu.memref_squeeze %dma_start3A_45 : memref<1x1280xf32, #tpu.memory_space<hbm>> -> memref<1280xf32, #tpu.memory_space<hbm>>
        tpu.enqueue_dma source(%dma_start3A_46 : memref<1280xf32, #tpu.memory_space<hbm>>) target(%arg7 : memref<1280xf32, #tpu.memory_space<vmem>>) target_semaphore(%run_scoped3A : memref<!tpu.dma_semaphore, #tpu.memory_space<semaphore_mem>>)
        %dma_wait3A = tpu.memref_slice %arg2[%add3A_31, %mul3A_27] : memref<128x320000xf32, #tpu.memory_space<hbm>> -> memref<1x1280xf32, #tpu.memory_space<hbm>>
        %dma_wait3A_47 = tpu.memref_squeeze %dma_wait3A : memref<1x1280xf32, #tpu.memory_space<hbm>> -> memref<1280xf32, #tpu.memory_space<hbm>>
        %dma_wait3A_48 = tpu.memref_slice %arg2[%add3A_31, %mul3A_27] : memref<128x320000xf32, #tpu.memory_space<hbm>> -> memref<1x1280xf32, #tpu.memory_space<hbm>>
        %dma_wait3A_49 = tpu.memref_squeeze %dma_wait3A_48 : memref<1x1280xf32, #tpu.memory_space<hbm>> -> memref<1280xf32, #tpu.memory_space<hbm>>
        tpu.wait_dma2 semaphore(%run_scoped3A : memref<!tpu.dma_semaphore, #tpu.memory_space<semaphore_mem>>) src(%dma_wait3A_49 : memref<1280xf32, #tpu.memory_space<hbm>>) dst(%arg7 : memref<1280xf32, #tpu.memory_space<vmem>>)
        tpu.yield
      }) : () -> ()
      %add3A_32 = arith.constant 2 : i32
      %add3A_33 = arith.addi %mul3A_2, %add3A_32 : i32
      "tpu.region"() ({
        %run_scoped3A = tpu.sem_alloc : memref<!tpu.dma_semaphore, #tpu.memory_space<semaphore_mem>>
        %dma_start3A = tpu.memref_slice %arg2[%add3A_33, %mul3A_27] : memref<128x320000xf32, #tpu.memory_space<hbm>> -> memref<1x1280xf32, #tpu.memory_space<hbm>>
        %dma_start3A_44 = tpu.memref_squeeze %dma_start3A : memref<1x1280xf32, #tpu.memory_space<hbm>> -> memref<1280xf32, #tpu.memory_space<hbm>>
        %dma_start3A_45 = tpu.memref_slice %arg2[%add3A_33, %mul3A_27] : memref<128x320000xf32, #tpu.memory_space<hbm>> -> memref<1x1280xf32, #tpu.memory_space<hbm>>
        %dma_start3A_46 = tpu.memref_squeeze %dma_start3A_45 : memref<1x1280xf32, #tpu.memory_space<hbm>> -> memref<1280xf32, #tpu.memory_space<hbm>>
        tpu.enqueue_dma source(%dma_start3A_46 : memref<1280xf32, #tpu.memory_space<hbm>>) target(%arg8 : memref<1280xf32, #tpu.memory_space<vmem>>) target_semaphore(%run_scoped3A : memref<!tpu.dma_semaphore, #tpu.memory_space<semaphore_mem>>)
        %dma_wait3A = tpu.memref_slice %arg2[%add3A_33, %mul3A_27] : memref<128x320000xf32, #tpu.memory_space<hbm>> -> memref<1x1280xf32, #tpu.memory_space<hbm>>
        %dma_wait3A_47 = tpu.memref_squeeze %dma_wait3A : memref<1x1280xf32, #tpu.memory_space<hbm>> -> memref<1280xf32, #tpu.memory_space<hbm>>
        %dma_wait3A_48 = tpu.memref_slice %arg2[%add3A_33, %mul3A_27] : memref<128x320000xf32, #tpu.memory_space<hbm>> -> memref<1x1280xf32, #tpu.memory_space<hbm>>
        %dma_wait3A_49 = tpu.memref_squeeze %dma_wait3A_48 : memref<1x1280xf32, #tpu.memory_space<hbm>> -> memref<1280xf32, #tpu.memory_space<hbm>>
        tpu.wait_dma2 semaphore(%run_scoped3A : memref<!tpu.dma_semaphore, #tpu.memory_space<semaphore_mem>>) src(%dma_wait3A_49 : memref<1280xf32, #tpu.memory_space<hbm>>) dst(%arg8 : memref<1280xf32, #tpu.memory_space<vmem>>)
        tpu.yield
      }) : () -> ()
      %add3A_34 = arith.constant 3 : i32
      %add3A_35 = arith.addi %mul3A_2, %add3A_34 : i32
      "tpu.region"() ({
        %run_scoped3A = tpu.sem_alloc : memref<!tpu.dma_semaphore, #tpu.memory_space<semaphore_mem>>
        %dma_start3A = tpu.memref_slice %arg2[%add3A_35, %mul3A_27] : memref<128x320000xf32, #tpu.memory_space<hbm>> -> memref<1x1280xf32, #tpu.memory_space<hbm>>
        %dma_start3A_44 = tpu.memref_squeeze %dma_start3A : memref<1x1280xf32, #tpu.memory_space<hbm>> -> memref<1280xf32, #tpu.memory_space<hbm>>
        %dma_start3A_45 = tpu.memref_slice %arg2[%add3A_35, %mul3A_27] : memref<128x320000xf32, #tpu.memory_space<hbm>> -> memref<1x1280xf32, #tpu.memory_space<hbm>>
        %dma_start3A_46 = tpu.memref_squeeze %dma_start3A_45 : memref<1x1280xf32, #tpu.memory_space<hbm>> -> memref<1280xf32, #tpu.memory_space<hbm>>
        tpu.enqueue_dma source(%dma_start3A_46 : memref<1280xf32, #tpu.memory_space<hbm>>) target(%arg9 : memref<1280xf32, #tpu.memory_space<vmem>>) target_semaphore(%run_scoped3A : memref<!tpu.dma_semaphore, #tpu.memory_space<semaphore_mem>>)
        %dma_wait3A = tpu.memref_slice %arg2[%add3A_35, %mul3A_27] : memref<128x320000xf32, #tpu.memory_space<hbm>> -> memref<1x1280xf32, #tpu.memory_space<hbm>>
        %dma_wait3A_47 = tpu.memref_squeeze %dma_wait3A : memref<1x1280xf32, #tpu.memory_space<hbm>> -> memref<1280xf32, #tpu.memory_space<hbm>>
        %dma_wait3A_48 = tpu.memref_slice %arg2[%add3A_35, %mul3A_27] : memref<128x320000xf32, #tpu.memory_space<hbm>> -> memref<1x1280xf32, #tpu.memory_space<hbm>>
        %dma_wait3A_49 = tpu.memref_squeeze %dma_wait3A_48 : memref<1x1280xf32, #tpu.memory_space<hbm>> -> memref<1280xf32, #tpu.memory_space<hbm>>
        tpu.wait_dma2 semaphore(%run_scoped3A : memref<!tpu.dma_semaphore, #tpu.memory_space<semaphore_mem>>) src(%dma_wait3A_49 : memref<1280xf32, #tpu.memory_space<hbm>>) dst(%arg9 : memref<1280xf32, #tpu.memory_space<vmem>>)
        tpu.yield
      }) : () -> ()
      %scan3A_36 = arith.constant 0 : i32
      %scan3A_37 = arith.constant 0 : i32
      %scan3A_38 = arith.constant 80 : i32
      %scan3A_39 = arith.addi %scan3A_37, %scan3A_38 : i32
      %scan3A_40 = arith.constant 1 : i32
      %scan3A_41 = scf.for %scan3A_44 = %scan3A_37 to %scan3A_39 step %scan3A_40 iter_args(%scan3A_45 = %scan3A_36) -> (i32)  : i32 {
        %mul3A_46 = arith.constant 16 : i32
        %mul3A_47 = arith.muli %scan3A_44, %mul3A_46 : i32
        %get3A = arith.index_cast %mul3A_47 : i32 to index
        %get3A_48 = tpu.vector_load %arg5[%get3A] {strides = array<i32>} : memref<1280xi32, #tpu.memory_space<vmem>>, vector<16xi32>,
        %mul3A_49 = arith.constant 16 : i32
        %mul3A_50 = arith.muli %scan3A_44, %mul3A_49 : i32
        %get3A_51 = arith.index_cast %mul3A_50 : i32 to index
        %get3A_52 = tpu.vector_load %arg6[%get3A_51] {strides = array<i32>} : memref<1280xf32, #tpu.memory_space<vmem>>, vector<16xf32>,
        %mul3A_53 = arith.constant 16 : i32
        %mul3A_54 = arith.muli %scan3A_44, %mul3A_53 : i32
        %get3A_55 = arith.index_cast %mul3A_54 : i32 to index
        %get3A_56 = tpu.vector_load %arg7[%get3A_55] {strides = array<i32>} : memref<1280xf32, #tpu.memory_space<vmem>>, vector<16xf32>,
        %mul3A_57 = arith.constant 16 : i32
        %mul3A_58 = arith.muli %scan3A_44, %mul3A_57 : i32
        %get3A_59 = arith.index_cast %mul3A_58 : i32 to index
        %get3A_60 = tpu.vector_load %arg8[%get3A_59] {strides = array<i32>} : memref<1280xf32, #tpu.memory_space<vmem>>, vector<16xf32>,
        %mul3A_61 = arith.constant 16 : i32
        %mul3A_62 = arith.muli %scan3A_44, %mul3A_61 : i32
        %get3A_63 = arith.index_cast %mul3A_62 : i32 to index
        %get3A_64 = tpu.vector_load %arg9[%get3A_63] {strides = array<i32>} : memref<1280xf32, #tpu.memory_space<vmem>>, vector<16xf32>,
        tpu.vector_store_idx %arg14[%get3A_48], %iota3A : memref<10000xi32, #tpu.memory_space<vmem>>[vector<16xi32>], vector<16xi32>,
        %gather3A = tpu.vector_load_idx %arg14[%get3A_48] : memref<10000xi32, #tpu.memory_space<vmem>>[vector<16xi32>], vector<16xi32>,
        %eq3A = arith.cmpi eq, %gather3A, %iota3A : vector<16xi32>
        %gather3A_65 = tpu.vector_load_idx %arg10[%get3A_48] : memref<10000xf32, #tpu.memory_space<vmem>>[vector<16xi32>], vector<16xf32>,
        %max3A = arith.maximumf %gather3A_65, %get3A_52 : vector<16xf32>
        tpu.vector_store_idx %arg10[%get3A_48], %max3A masked %eq3A : memref<10000xf32, #tpu.memory_space<vmem>>[vector<16xi32>], vector<16xf32>, vector<16xi1>
        %gather3A_66 = tpu.vector_load_idx %arg11[%get3A_48] : memref<10000xf32, #tpu.memory_space<vmem>>[vector<16xi32>], vector<16xf32>,
        %max3A_67 = arith.maximumf %gather3A_66, %get3A_56 : vector<16xf32>
        tpu.vector_store_idx %arg11[%get3A_48], %max3A_67 masked %eq3A : memref<10000xf32, #tpu.memory_space<vmem>>[vector<16xi32>], vector<16xf32>, vector<16xi1>
        %gather3A_68 = tpu.vector_load_idx %arg12[%get3A_48] : memref<10000xf32, #tpu.memory_space<vmem>>[vector<16xi32>], vector<16xf32>,
        %max3A_69 = arith.maximumf %gather3A_68, %get3A_60 : vector<16xf32>
        tpu.vector_store_idx %arg12[%get3A_48], %max3A_69 masked %eq3A : memref<10000xf32, #tpu.memory_space<vmem>>[vector<16xi32>], vector<16xf32>, vector<16xi1>
        %gather3A_70 = tpu.vector_load_idx %arg13[%get3A_48] : memref<10000xf32, #tpu.memory_space<vmem>>[vector<16xi32>], vector<16xf32>,
        %max3A_71 = arith.maximumf %gather3A_70, %get3A_64 : vector<16xf32>
        tpu.vector_store_idx %arg13[%get3A_48], %max3A_71 masked %eq3A : memref<10000xf32, #tpu.memory_space<vmem>>[vector<16xi32>], vector<16xf32>, vector<16xi1>
        %not3A = arith.constant dense<true> : vector<16xi1>
        %not3A_72 = arith.xori %eq3A, %not3A : vector<16xi1>
        %all_reduce_population_count3A = tpu.all_reduce %not3A_72 {dim = 0 : i64, kind = #tpu.reduction_kind<sum>} : vector<16xi1> -> vector<16xi32>
        %slice3A = vector.extract_strided_slice %all_reduce_population_count3A {offsets = [0], sizes = [1], strides = [1]} : vector<16xi32> to vector<1xi32>
        %squeeze3A = vector.extract %slice3A[0] : i32 from vector<1xi32>
        %gt3A = arith.constant 0 : i32
        %gt3A_73 = arith.cmpi sgt, %squeeze3A, %gt3A : i32
        %convert_element_type3A = arith.extui %gt3A_73 : i1 to i32
        %cond3A = arith.constant 0 : i32
        %cond3A_74 = arith.cmpi ne, %convert_element_type3A, %cond3A : i32
        scf.if %cond3A_74 {
          %jit3A = arith.constant 0 : i32
          %jit3A_76 = arith.constant 1 : i32
          %broadcast_in_dim3A = vector.broadcast %jit3A : i32 to vector<16xi32>
          %broadcast_in_dim3A_77 = vector.broadcast %jit3A_76 : i32 to vector<16xi32>
          %select_n3A = arith.select %eq3A, %broadcast_in_dim3A, %broadcast_in_dim3A_77 : vector<16xi1>, vector<16xi32>
          %while3A = scf.while (%while3A_78 = %select_n3A) : (vector<16xi32>) -> vector<16xi32> {
            %reduce_max3A = arith.constant true
            %reduce_max3A_79 = vector.broadcast %reduce_max3A : i1 to vector<16xi1>
            %reduce_max3A_80 = arith.constant -2147483648 : i32
            %reduce_max3A_81 = vector.broadcast %reduce_max3A_80 : i32 to vector<16xi32>
            %reduce_max3A_82 = arith.xori %while3A_78, %reduce_max3A_81 : vector<16xi32>
            %reduce_max3A_83 = tpu.scan <max>, %reduce_max3A_82 masked %reduce_max3A_79 : vector<16xi32>, vector<16xi1> -> vector<16xi32>
            %reduce_max3A_84 = arith.xori %reduce_max3A_83, %reduce_max3A_81 : vector<16xi32>
            %reduce_max3A_85 = vector.extract %reduce_max3A_84[15] : i32 from vector<16xi32>
            %gt3A_86 = arith.constant 0 : i32
            %gt3A_87 = arith.cmpi sgt, %reduce_max3A_85, %gt3A_86 : i32
            scf.condition(%gt3A_87) %while3A_78 : vector<16xi32>
          } do {
          ^bb0(%while3A_78: vector<16xi32>):
            %gt3A_79 = arith.constant 0 : i32
            %gt3A_80 = vector.broadcast %gt3A_79 : i32 to vector<16xi32>
            %gt3A_81 = arith.cmpi sgt, %while3A_78, %gt3A_80 : vector<16xi32>
            tpu.vector_store_idx %arg14[%get3A_48], %iota3A masked %gt3A_81 : memref<10000xi32, #tpu.memory_space<vmem>>[vector<16xi32>], vector<16xi32>, vector<16xi1>
            %gather3A_82 = tpu.vector_load_idx %arg14[%get3A_48] : memref<10000xi32, #tpu.memory_space<vmem>>[vector<16xi32>], vector<16xi32>,
            %eq3A_83 = arith.cmpi eq, %gather3A_82, %iota3A : vector<16xi32>
            %and3A = arith.andi %gt3A_81, %eq3A_83 : vector<16xi1>
            %gather3A_84 = tpu.vector_load_idx %arg10[%get3A_48] : memref<10000xf32, #tpu.memory_space<vmem>>[vector<16xi32>], vector<16xf32>,
            %max3A_85 = arith.maximumf %gather3A_84, %get3A_52 : vector<16xf32>
            tpu.vector_store_idx %arg10[%get3A_48], %max3A_85 masked %and3A : memref<10000xf32, #tpu.memory_space<vmem>>[vector<16xi32>], vector<16xf32>, vector<16xi1>
            %gather3A_86 = tpu.vector_load_idx %arg11[%get3A_48] : memref<10000xf32, #tpu.memory_space<vmem>>[vector<16xi32>], vector<16xf32>,
            %max3A_87 = arith.maximumf %gather3A_86, %get3A_56 : vector<16xf32>
            tpu.vector_store_idx %arg11[%get3A_48], %max3A_87 masked %and3A : memref<10000xf32, #tpu.memory_space<vmem>>[vector<16xi32>], vector<16xf32>, vector<16xi1>
            %gather3A_88 = tpu.vector_load_idx %arg12[%get3A_48] : memref<10000xf32, #tpu.memory_space<vmem>>[vector<16xi32>], vector<16xf32>,
            %max3A_89 = arith.maximumf %gather3A_88, %get3A_60 : vector<16xf32>
            tpu.vector_store_idx %arg12[%get3A_48], %max3A_89 masked %and3A : memref<10000xf32, #tpu.memory_space<vmem>>[vector<16xi32>], vector<16xf32>, vector<16xi1>
            %gather3A_90 = tpu.vector_load_idx %arg13[%get3A_48] : memref<10000xf32, #tpu.memory_space<vmem>>[vector<16xi32>], vector<16xf32>,
            %max3A_91 = arith.maximumf %gather3A_90, %get3A_64 : vector<16xf32>
            tpu.vector_store_idx %arg13[%get3A_48], %max3A_91 masked %and3A : memref<10000xf32, #tpu.memory_space<vmem>>[vector<16xi32>], vector<16xf32>, vector<16xi1>
            %jit3A_92 = arith.constant 0 : i32
            %broadcast_in_dim3A_93 = vector.broadcast %jit3A_92 : i32 to vector<16xi32>
            %select_n3A_94 = arith.select %and3A, %broadcast_in_dim3A_93, %while3A_78 : vector<16xi1>, vector<16xi32>
            scf.yield %select_n3A_94 : vector<16xi32>
          }
        } else {
        }
        %scan3A_75 = arith.constant 0 : i32
        scf.yield %scan3A_75 : i32
      }
      %scan3A_42 = arith.constant 80 : i32
      %scan3A_43 = arith.constant 0 : i32
      scf.yield %scan3A_43 : i32
    }
    %scan3A_15 = arith.constant 250 : i32
    %add3A_16 = arith.constant 0 : i32
    %add3A_17 = arith.addi %mul3A_2, %add3A_16 : i32
    "tpu.region"() ({
      %run_scoped3A = tpu.sem_alloc : memref<!tpu.dma_semaphore, #tpu.memory_space<semaphore_mem>>
      %dma_start3A = arith.constant 0 : i32
      %dma_start3A_24 = tpu.memref_slice %arg4[%add3A_17, %dma_start3A] : memref<128x10000xf32, #tpu.memory_space<hbm>> -> memref<1x10000xf32, #tpu.memory_space<hbm>>
      %dma_start3A_25 = tpu.memref_squeeze %dma_start3A_24 : memref<1x10000xf32, #tpu.memory_space<hbm>> -> memref<10000xf32, #tpu.memory_space<hbm>>
      %dma_start3A_26 = arith.constant 0 : i32
      %dma_start3A_27 = tpu.memref_slice %arg4[%add3A_17, %dma_start3A_26] : memref<128x10000xf32, #tpu.memory_space<hbm>> -> memref<1x10000xf32, #tpu.memory_space<hbm>>
      %dma_start3A_28 = tpu.memref_squeeze %dma_start3A_27 : memref<1x10000xf32, #tpu.memory_space<hbm>> -> memref<10000xf32, #tpu.memory_space<hbm>>
      tpu.enqueue_dma source(%arg10 : memref<10000xf32, #tpu.memory_space<vmem>>) target(%dma_start3A_28 : memref<10000xf32, #tpu.memory_space<hbm>>) target_semaphore(%run_scoped3A : memref<!tpu.dma_semaphore, #tpu.memory_space<semaphore_mem>>)
      %dma_wait3A = arith.constant 0 : i32
      %dma_wait3A_29 = tpu.memref_slice %arg4[%add3A_17, %dma_wait3A] : memref<128x10000xf32, #tpu.memory_space<hbm>> -> memref<1x10000xf32, #tpu.memory_space<hbm>>
      %dma_wait3A_30 = tpu.memref_squeeze %dma_wait3A_29 : memref<1x10000xf32, #tpu.memory_space<hbm>> -> memref<10000xf32, #tpu.memory_space<hbm>>
      %dma_wait3A_31 = arith.constant 0 : i32
      %dma_wait3A_32 = tpu.memref_slice %arg4[%add3A_17, %dma_wait3A_31] : memref<128x10000xf32, #tpu.memory_space<hbm>> -> memref<1x10000xf32, #tpu.memory_space<hbm>>
      %dma_wait3A_33 = tpu.memref_squeeze %dma_wait3A_32 : memref<1x10000xf32, #tpu.memory_space<hbm>> -> memref<10000xf32, #tpu.memory_space<hbm>>
      tpu.wait_dma2 semaphore(%run_scoped3A : memref<!tpu.dma_semaphore, #tpu.memory_space<semaphore_mem>>) src(%arg10 : memref<10000xf32, #tpu.memory_space<vmem>>) dst(%dma_wait3A_33 : memref<10000xf32, #tpu.memory_space<hbm>>)
      tpu.yield
    }) : () -> ()
    %add3A_18 = arith.constant 1 : i32
    %add3A_19 = arith.addi %mul3A_2, %add3A_18 : i32
    "tpu.region"() ({
      %run_scoped3A = tpu.sem_alloc : memref<!tpu.dma_semaphore, #tpu.memory_space<semaphore_mem>>
      %dma_start3A = arith.constant 0 : i32
      %dma_start3A_24 = tpu.memref_slice %arg4[%add3A_19, %dma_start3A] : memref<128x10000xf32, #tpu.memory_space<hbm>> -> memref<1x10000xf32, #tpu.memory_space<hbm>>
      %dma_start3A_25 = tpu.memref_squeeze %dma_start3A_24 : memref<1x10000xf32, #tpu.memory_space<hbm>> -> memref<10000xf32, #tpu.memory_space<hbm>>
      %dma_start3A_26 = arith.constant 0 : i32
      %dma_start3A_27 = tpu.memref_slice %arg4[%add3A_19, %dma_start3A_26] : memref<128x10000xf32, #tpu.memory_space<hbm>> -> memref<1x10000xf32, #tpu.memory_space<hbm>>
      %dma_start3A_28 = tpu.memref_squeeze %dma_start3A_27 : memref<1x10000xf32, #tpu.memory_space<hbm>> -> memref<10000xf32, #tpu.memory_space<hbm>>
      tpu.enqueue_dma source(%arg11 : memref<10000xf32, #tpu.memory_space<vmem>>) target(%dma_start3A_28 : memref<10000xf32, #tpu.memory_space<hbm>>) target_semaphore(%run_scoped3A : memref<!tpu.dma_semaphore, #tpu.memory_space<semaphore_mem>>)
      %dma_wait3A = arith.constant 0 : i32
      %dma_wait3A_29 = tpu.memref_slice %arg4[%add3A_19, %dma_wait3A] : memref<128x10000xf32, #tpu.memory_space<hbm>> -> memref<1x10000xf32, #tpu.memory_space<hbm>>
      %dma_wait3A_30 = tpu.memref_squeeze %dma_wait3A_29 : memref<1x10000xf32, #tpu.memory_space<hbm>> -> memref<10000xf32, #tpu.memory_space<hbm>>
      %dma_wait3A_31 = arith.constant 0 : i32
      %dma_wait3A_32 = tpu.memref_slice %arg4[%add3A_19, %dma_wait3A_31] : memref<128x10000xf32, #tpu.memory_space<hbm>> -> memref<1x10000xf32, #tpu.memory_space<hbm>>
      %dma_wait3A_33 = tpu.memref_squeeze %dma_wait3A_32 : memref<1x10000xf32, #tpu.memory_space<hbm>> -> memref<10000xf32, #tpu.memory_space<hbm>>
      tpu.wait_dma2 semaphore(%run_scoped3A : memref<!tpu.dma_semaphore, #tpu.memory_space<semaphore_mem>>) src(%arg11 : memref<10000xf32, #tpu.memory_space<vmem>>) dst(%dma_wait3A_33 : memref<10000xf32, #tpu.memory_space<hbm>>)
      tpu.yield
    }) : () -> ()
    %add3A_20 = arith.constant 2 : i32
    %add3A_21 = arith.addi %mul3A_2, %add3A_20 : i32
    "tpu.region"() ({
      %run_scoped3A = tpu.sem_alloc : memref<!tpu.dma_semaphore, #tpu.memory_space<semaphore_mem>>
      %dma_start3A = arith.constant 0 : i32
      %dma_start3A_24 = tpu.memref_slice %arg4[%add3A_21, %dma_start3A] : memref<128x10000xf32, #tpu.memory_space<hbm>> -> memref<1x10000xf32, #tpu.memory_space<hbm>>
      %dma_start3A_25 = tpu.memref_squeeze %dma_start3A_24 : memref<1x10000xf32, #tpu.memory_space<hbm>> -> memref<10000xf32, #tpu.memory_space<hbm>>
      %dma_start3A_26 = arith.constant 0 : i32
      %dma_start3A_27 = tpu.memref_slice %arg4[%add3A_21, %dma_start3A_26] : memref<128x10000xf32, #tpu.memory_space<hbm>> -> memref<1x10000xf32, #tpu.memory_space<hbm>>
      %dma_start3A_28 = tpu.memref_squeeze %dma_start3A_27 : memref<1x10000xf32, #tpu.memory_space<hbm>> -> memref<10000xf32, #tpu.memory_space<hbm>>
      tpu.enqueue_dma source(%arg12 : memref<10000xf32, #tpu.memory_space<vmem>>) target(%dma_start3A_28 : memref<10000xf32, #tpu.memory_space<hbm>>) target_semaphore(%run_scoped3A : memref<!tpu.dma_semaphore, #tpu.memory_space<semaphore_mem>>)
      %dma_wait3A = arith.constant 0 : i32
      %dma_wait3A_29 = tpu.memref_slice %arg4[%add3A_21, %dma_wait3A] : memref<128x10000xf32, #tpu.memory_space<hbm>> -> memref<1x10000xf32, #tpu.memory_space<hbm>>
      %dma_wait3A_30 = tpu.memref_squeeze %dma_wait3A_29 : memref<1x10000xf32, #tpu.memory_space<hbm>> -> memref<10000xf32, #tpu.memory_space<hbm>>
      %dma_wait3A_31 = arith.constant 0 : i32
      %dma_wait3A_32 = tpu.memref_slice %arg4[%add3A_21, %dma_wait3A_31] : memref<128x10000xf32, #tpu.memory_space<hbm>> -> memref<1x10000xf32, #tpu.memory_space<hbm>>
      %dma_wait3A_33 = tpu.memref_squeeze %dma_wait3A_32 : memref<1x10000xf32, #tpu.memory_space<hbm>> -> memref<10000xf32, #tpu.memory_space<hbm>>
      tpu.wait_dma2 semaphore(%run_scoped3A : memref<!tpu.dma_semaphore, #tpu.memory_space<semaphore_mem>>) src(%arg12 : memref<10000xf32, #tpu.memory_space<vmem>>) dst(%dma_wait3A_33 : memref<10000xf32, #tpu.memory_space<hbm>>)
      tpu.yield
    }) : () -> ()
    %add3A_22 = arith.constant 3 : i32
    %add3A_23 = arith.addi %mul3A_2, %add3A_22 : i32
    "tpu.region"() ({
      %run_scoped3A = tpu.sem_alloc : memref<!tpu.dma_semaphore, #tpu.memory_space<semaphore_mem>>
      %dma_start3A = arith.constant 0 : i32
      %dma_start3A_24 = tpu.memref_slice %arg4[%add3A_23, %dma_start3A] : memref<128x10000xf32, #tpu.memory_space<hbm>> -> memref<1x10000xf32, #tpu.memory_space<hbm>>
      %dma_start3A_25 = tpu.memref_squeeze %dma_start3A_24 : memref<1x10000xf32, #tpu.memory_space<hbm>> -> memref<10000xf32, #tpu.memory_space<hbm>>
      %dma_start3A_26 = arith.constant 0 : i32
      %dma_start3A_27 = tpu.memref_slice %arg4[%add3A_23, %dma_start3A_26] : memref<128x10000xf32, #tpu.memory_space<hbm>> -> memref<1x10000xf32, #tpu.memory_space<hbm>>
      %dma_start3A_28 = tpu.memref_squeeze %dma_start3A_27 : memref<1x10000xf32, #tpu.memory_space<hbm>> -> memref<10000xf32, #tpu.memory_space<hbm>>
      tpu.enqueue_dma source(%arg13 : memref<10000xf32, #tpu.memory_space<vmem>>) target(%dma_start3A_28 : memref<10000xf32, #tpu.memory_space<hbm>>) target_semaphore(%run_scoped3A : memref<!tpu.dma_semaphore, #tpu.memory_space<semaphore_mem>>)
      %dma_wait3A = arith.constant 0 : i32
      %dma_wait3A_29 = tpu.memref_slice %arg4[%add3A_23, %dma_wait3A] : memref<128x10000xf32, #tpu.memory_space<hbm>> -> memref<1x10000xf32, #tpu.memory_space<hbm>>
      %dma_wait3A_30 = tpu.memref_squeeze %dma_wait3A_29 : memref<1x10000xf32, #tpu.memory_space<hbm>> -> memref<10000xf32, #tpu.memory_space<hbm>>
      %dma_wait3A_31 = arith.constant 0 : i32
      %dma_wait3A_32 = tpu.memref_slice %arg4[%add3A_23, %dma_wait3A_31] : memref<128x10000xf32, #tpu.memory_space<hbm>> -> memref<1x10000xf32, #tpu.memory_space<hbm>>
      %dma_wait3A_33 = tpu.memref_squeeze %dma_wait3A_32 : memref<1x10000xf32, #tpu.memory_space<hbm>> -> memref<10000xf32, #tpu.memory_space<hbm>>
      tpu.wait_dma2 semaphore(%run_scoped3A : memref<!tpu.dma_semaphore, #tpu.memory_space<semaphore_mem>>) src(%arg13 : memref<10000xf32, #tpu.memory_space<vmem>>) dst(%dma_wait3A_33 : memref<10000xf32, #tpu.memory_space<hbm>>)
      tpu.yield
    }) : () -> ()
    return
  }
}

#map = affine_map<(d0, d1) -> (0, 0)>
module attributes {stable_mosaic.version = 14 : i64} {
  func.func @_sc1_body(%arg0: i32, %arg1: i32, %arg2: memref<10000x64xf32, #tpu.memory_space<hbm>>, %arg3: memref<10000x16xf32, #tpu.memory_space<hbm>>, %arg4: memref<2500x128xi32, #tpu.memory_space<hbm>>, %arg5: memref<2500x128xi32, #tpu.memory_space<hbm>>, %arg6: memref<320000x64xf32, #tpu.memory_space<hbm>>, %arg7: memref<320000x16xf32, #tpu.memory_space<hbm>>, %arg8: memref<128xi32, #tpu.memory_space<vmem>>, %arg9: memref<128xi32, #tpu.memory_space<vmem>>, %arg10: memref<128x64xf32, #tpu.memory_space<vmem>>, %arg11: memref<128x16xf32, #tpu.memory_space<vmem>>, %arg12: memref<128x16xf32, #tpu.memory_space<vmem>>, %arg13: memref<!tpu.dma_semaphore, #tpu.memory_space<semaphore_mem>>, %arg14: memref<!tpu.dma_semaphore, #tpu.memory_space<semaphore_mem>>, %arg15: memref<!tpu.dma_semaphore, #tpu.memory_space<semaphore_mem>>) attributes {dimension_semantics = [#tpu.dimension_semantics<core_parallel>, #tpu.dimension_semantics<subcore_parallel>], iteration_bounds = array<i64: 2, 16>, scalar_prefetch = 0 : i64, scratch_operands = 8 : i64, tpu.core_type = #tpu.core_type<sc_vector_subcore>, window_params = [{transform_indices = #map}, {transform_indices = #map}, {transform_indices = #map}, {transform_indices = #map}, {transform_indices = #map}, {transform_indices = #map}]} {
    %mul3A = arith.constant 2 : i32
    %mul3A_0 = arith.muli %arg1, %mul3A : i32
    %add3A = arith.addi %mul3A_0, %arg0 : i32
    %sub3A = arith.constant 2500 : i32
    %sub3A_1 = arith.subi %sub3A, %add3A : i32
    %add3A_2 = arith.constant 32 : i32
    %add3A_3 = arith.addi %sub3A_1, %add3A_2 : i32
    %sub3A_4 = arith.constant 1 : i32
    %sub3A_5 = arith.subi %add3A_3, %sub3A_4 : i32
    %jit3A = arith.constant 32 : i32
    %div3A = arith.divsi %sub3A_5, %jit3A : i32
    %sign3A = arith.constant 0 : i32
    %sign3A_6 = arith.cmpi sgt, %sub3A_5, %sign3A : i32
    %sign3A_7 = arith.extui %sign3A_6 : i1 to i32
    %sign3A_8 = arith.constant 0 : i32
    %sign3A_9 = arith.cmpi slt, %sub3A_5, %sign3A_8 : i32
    %sign3A_10 = arith.extui %sign3A_9 : i1 to i32
    %sign3A_11 = arith.subi %sign3A_7, %sign3A_10 : i32
    %sign3A_12 = arith.constant 0 : i32
    %sign3A_13 = arith.cmpi sgt, %jit3A, %sign3A_12 : i32
    %sign3A_14 = arith.extui %sign3A_13 : i1 to i32
    %sign3A_15 = arith.constant 0 : i32
    %sign3A_16 = arith.cmpi slt, %jit3A, %sign3A_15 : i32
    %sign3A_17 = arith.extui %sign3A_16 : i1 to i32
    %sign3A_18 = arith.subi %sign3A_14, %sign3A_17 : i32
    %ne3A = arith.cmpi ne, %sign3A_11, %sign3A_18 : i32
    %rem3A = arith.remsi %sub3A_5, %jit3A : i32
    %ne3A_19 = arith.constant 0 : i32
    %ne3A_20 = arith.cmpi ne, %rem3A, %ne3A_19 : i32
    %and3A = arith.andi %ne3A, %ne3A_20 : i1
    %sub3A_21 = arith.constant 1 : i32
    %sub3A_22 = arith.subi %div3A, %sub3A_21 : i32
    %select_n3A = arith.select %and3A, %sub3A_22, %div3A : i32
    %while3A = arith.constant 0 : i32
    %while3A_23 = arith.constant 0 : i32
    %while3A_24 = arith.subi %select_n3A, %while3A : i32
    %while3A_25 = arith.addi %while3A, %while3A_24 : i32
    %while3A_26 = arith.constant 1 : i32
    %while3A_27 = arith.divsi %while3A_24, %while3A_26 : i32
    %while3A_28 = arith.muli %while3A_27, %while3A_26 : i32
    %while3A_29 = arith.addi %while3A, %while3A_28 : i32
    %while3A_30 = arith.constant 1 : i32
    %while3A_31 = scf.for %while3A_34 = %while3A to %while3A_29 step %while3A_30 iter_args(%while3A_35 = %while3A_23) -> (i32)  : i32 {
      %mul3A_36 = arith.constant 32 : i32
      %mul3A_37 = arith.muli %while3A_34, %mul3A_36 : i32
      %add3A_38 = arith.addi %add3A, %mul3A_37 : i32
      "tpu.region"() ({
        %run_scoped3A = tpu.sem_alloc : memref<!tpu.dma_semaphore, #tpu.memory_space<semaphore_mem>>
        %dma_start3A_66 = arith.constant 0 : i32
        %dma_start3A_67 = tpu.memref_slice %arg4[%add3A_38, %dma_start3A_66] : memref<2500x128xi32, #tpu.memory_space<hbm>> -> memref<1x128xi32, #tpu.memory_space<hbm>>
        %dma_start3A_68 = tpu.memref_squeeze %dma_start3A_67 : memref<1x128xi32, #tpu.memory_space<hbm>> -> memref<128xi32, #tpu.memory_space<hbm>>
        %dma_start3A_69 = arith.constant 0 : i32
        %dma_start3A_70 = tpu.memref_slice %arg4[%add3A_38, %dma_start3A_69] : memref<2500x128xi32, #tpu.memory_space<hbm>> -> memref<1x128xi32, #tpu.memory_space<hbm>>
        %dma_start3A_71 = tpu.memref_squeeze %dma_start3A_70 : memref<1x128xi32, #tpu.memory_space<hbm>> -> memref<128xi32, #tpu.memory_space<hbm>>
        tpu.enqueue_dma source(%dma_start3A_71 : memref<128xi32, #tpu.memory_space<hbm>>) target(%arg8 : memref<128xi32, #tpu.memory_space<vmem>>) target_semaphore(%run_scoped3A : memref<!tpu.dma_semaphore, #tpu.memory_space<semaphore_mem>>)
        %dma_wait3A_72 = arith.constant 0 : i32
        %dma_wait3A_73 = tpu.memref_slice %arg4[%add3A_38, %dma_wait3A_72] : memref<2500x128xi32, #tpu.memory_space<hbm>> -> memref<1x128xi32, #tpu.memory_space<hbm>>
        %dma_wait3A_74 = tpu.memref_squeeze %dma_wait3A_73 : memref<1x128xi32, #tpu.memory_space<hbm>> -> memref<128xi32, #tpu.memory_space<hbm>>
        %dma_wait3A_75 = arith.constant 0 : i32
        %dma_wait3A_76 = tpu.memref_slice %arg4[%add3A_38, %dma_wait3A_75] : memref<2500x128xi32, #tpu.memory_space<hbm>> -> memref<1x128xi32, #tpu.memory_space<hbm>>
        %dma_wait3A_77 = tpu.memref_squeeze %dma_wait3A_76 : memref<1x128xi32, #tpu.memory_space<hbm>> -> memref<128xi32, #tpu.memory_space<hbm>>
        tpu.wait_dma2 semaphore(%run_scoped3A : memref<!tpu.dma_semaphore, #tpu.memory_space<semaphore_mem>>) src(%dma_wait3A_77 : memref<128xi32, #tpu.memory_space<hbm>>) dst(%arg8 : memref<128xi32, #tpu.memory_space<vmem>>)
        tpu.yield
      }) : () -> ()
      "tpu.region"() ({
        %run_scoped3A = tpu.sem_alloc : memref<!tpu.dma_semaphore, #tpu.memory_space<semaphore_mem>>
        %dma_start3A_66 = arith.constant 0 : i32
        %dma_start3A_67 = tpu.memref_slice %arg5[%add3A_38, %dma_start3A_66] : memref<2500x128xi32, #tpu.memory_space<hbm>> -> memref<1x128xi32, #tpu.memory_space<hbm>>
        %dma_start3A_68 = tpu.memref_squeeze %dma_start3A_67 : memref<1x128xi32, #tpu.memory_space<hbm>> -> memref<128xi32, #tpu.memory_space<hbm>>
        %dma_start3A_69 = arith.constant 0 : i32
        %dma_start3A_70 = tpu.memref_slice %arg5[%add3A_38, %dma_start3A_69] : memref<2500x128xi32, #tpu.memory_space<hbm>> -> memref<1x128xi32, #tpu.memory_space<hbm>>
        %dma_start3A_71 = tpu.memref_squeeze %dma_start3A_70 : memref<1x128xi32, #tpu.memory_space<hbm>> -> memref<128xi32, #tpu.memory_space<hbm>>
        tpu.enqueue_dma source(%dma_start3A_71 : memref<128xi32, #tpu.memory_space<hbm>>) target(%arg9 : memref<128xi32, #tpu.memory_space<vmem>>) target_semaphore(%run_scoped3A : memref<!tpu.dma_semaphore, #tpu.memory_space<semaphore_mem>>)
        %dma_wait3A_72 = arith.constant 0 : i32
        %dma_wait3A_73 = tpu.memref_slice %arg5[%add3A_38, %dma_wait3A_72] : memref<2500x128xi32, #tpu.memory_space<hbm>> -> memref<1x128xi32, #tpu.memory_space<hbm>>
        %dma_wait3A_74 = tpu.memref_squeeze %dma_wait3A_73 : memref<1x128xi32, #tpu.memory_space<hbm>> -> memref<128xi32, #tpu.memory_space<hbm>>
        %dma_wait3A_75 = arith.constant 0 : i32
        %dma_wait3A_76 = tpu.memref_slice %arg5[%add3A_38, %dma_wait3A_75] : memref<2500x128xi32, #tpu.memory_space<hbm>> -> memref<1x128xi32, #tpu.memory_space<hbm>>
        %dma_wait3A_77 = tpu.memref_squeeze %dma_wait3A_76 : memref<1x128xi32, #tpu.memory_space<hbm>> -> memref<128xi32, #tpu.memory_space<hbm>>
        tpu.wait_dma2 semaphore(%run_scoped3A : memref<!tpu.dma_semaphore, #tpu.memory_space<semaphore_mem>>) src(%dma_wait3A_77 : memref<128xi32, #tpu.memory_space<hbm>>) dst(%arg9 : memref<128xi32, #tpu.memory_space<vmem>>)
        tpu.yield
      }) : () -> ()
      %dma_start3A = arith.constant 0 : i32
      %dma_start3A_39 = arith.constant 0 : i32
      %dma_start3A_40 = tpu.memref_slice %arg2[%dma_start3A, %dma_start3A_39] : memref<10000x64xf32, #tpu.memory_space<hbm>> -> memref<10000x64xf32, #tpu.memory_space<hbm>>
      tpu.enqueue_indirect_dma source(%dma_start3A_40 : memref<10000x64xf32, #tpu.memory_space<hbm>>) target(%arg10 : memref<128x64xf32, #tpu.memory_space<vmem>>) offsets(%arg8 : memref<128xi32, #tpu.memory_space<vmem>>) semaphore(%arg13 : memref<!tpu.dma_semaphore, #tpu.memory_space<semaphore_mem>>)
      %dma_start3A_41 = arith.constant 0 : i32
      %dma_start3A_42 = arith.constant 0 : i32
      %dma_start3A_43 = tpu.memref_slice %arg3[%dma_start3A_41, %dma_start3A_42] : memref<10000x16xf32, #tpu.memory_space<hbm>> -> memref<10000x16xf32, #tpu.memory_space<hbm>>
      tpu.enqueue_indirect_dma source(%dma_start3A_43 : memref<10000x16xf32, #tpu.memory_space<hbm>>) target(%arg11 : memref<128x16xf32, #tpu.memory_space<vmem>>) offsets(%arg8 : memref<128xi32, #tpu.memory_space<vmem>>) semaphore(%arg14 : memref<!tpu.dma_semaphore, #tpu.memory_space<semaphore_mem>>)
      %dma_start3A_44 = arith.constant 0 : i32
      %dma_start3A_45 = arith.constant 0 : i32
      %dma_start3A_46 = tpu.memref_slice %arg3[%dma_start3A_44, %dma_start3A_45] : memref<10000x16xf32, #tpu.memory_space<hbm>> -> memref<10000x16xf32, #tpu.memory_space<hbm>>
      tpu.enqueue_indirect_dma source(%dma_start3A_46 : memref<10000x16xf32, #tpu.memory_space<hbm>>) target(%arg12 : memref<128x16xf32, #tpu.memory_space<vmem>>) offsets(%arg9 : memref<128xi32, #tpu.memory_space<vmem>>) semaphore(%arg15 : memref<!tpu.dma_semaphore, #tpu.memory_space<semaphore_mem>>)
      %dma_wait3A = arith.constant 0 : i32
      %dma_wait3A_47 = arith.constant 0 : i32
      %dma_wait3A_48 = tpu.memref_slice %arg2[%dma_wait3A, %dma_wait3A_47] : memref<10000x64xf32, #tpu.memory_space<hbm>> -> memref<10000x64xf32, #tpu.memory_space<hbm>>
      tpu.wait_indirect_dma semaphore(%arg13 : memref<!tpu.dma_semaphore, #tpu.memory_space<semaphore_mem>>) src(%dma_wait3A_48 : memref<10000x64xf32, #tpu.memory_space<hbm>>) dst(%arg10 : memref<128x64xf32, #tpu.memory_space<vmem>>)
      %dma_wait3A_49 = arith.constant 0 : i32
      %dma_wait3A_50 = arith.constant 0 : i32
      %dma_wait3A_51 = tpu.memref_slice %arg3[%dma_wait3A_49, %dma_wait3A_50] : memref<10000x16xf32, #tpu.memory_space<hbm>> -> memref<10000x16xf32, #tpu.memory_space<hbm>>
      tpu.wait_indirect_dma semaphore(%arg14 : memref<!tpu.dma_semaphore, #tpu.memory_space<semaphore_mem>>) src(%dma_wait3A_51 : memref<10000x16xf32, #tpu.memory_space<hbm>>) dst(%arg11 : memref<128x16xf32, #tpu.memory_space<vmem>>)
      %dma_wait3A_52 = arith.constant 0 : i32
      %dma_wait3A_53 = arith.constant 0 : i32
      %dma_wait3A_54 = tpu.memref_slice %arg3[%dma_wait3A_52, %dma_wait3A_53] : memref<10000x16xf32, #tpu.memory_space<hbm>> -> memref<10000x16xf32, #tpu.memory_space<hbm>>
      tpu.wait_indirect_dma semaphore(%arg15 : memref<!tpu.dma_semaphore, #tpu.memory_space<semaphore_mem>>) src(%dma_wait3A_54 : memref<10000x16xf32, #tpu.memory_space<hbm>>) dst(%arg12 : memref<128x16xf32, #tpu.memory_space<vmem>>)
      %scan3A = arith.constant 0 : i32
      %scan3A_55 = arith.constant 0 : i32
      %scan3A_56 = arith.constant 128 : i32
      %scan3A_57 = arith.addi %scan3A_55, %scan3A_56 : i32
      %scan3A_58 = arith.constant 1 : i32
      %scan3A_59 = scf.for %scan3A_66 = %scan3A_55 to %scan3A_57 step %scan3A_58 iter_args(%scan3A_67 = %scan3A) -> (i32)  : i32 {
        %get3A = arith.index_cast %scan3A_66 : i32 to index
        %get3A_68 = arith.constant 0 : index
        %get3A_69 = tpu.vector_load %arg11[%get3A, %get3A_68] {strides = array<i32>} : memref<128x16xf32, #tpu.memory_space<vmem>>, vector<1x16xf32>,
        %get3A_70 = vector.shape_cast %get3A_69 : vector<1x16xf32> to vector<16xf32>
        %get3A_71 = arith.index_cast %scan3A_66 : i32 to index
        %get3A_72 = arith.constant 0 : index
        %get3A_73 = tpu.vector_load %arg12[%get3A_71, %get3A_72] {strides = array<i32>} : memref<128x16xf32, #tpu.memory_space<vmem>>, vector<1x16xf32>,
        %get3A_74 = vector.shape_cast %get3A_73 : vector<1x16xf32> to vector<16xf32>
        %sub3A_75 = arith.subf %get3A_70, %get3A_74 : vector<16xf32>
        %swap3A = arith.index_cast %scan3A_66 : i32 to index
        %swap3A_76 = arith.constant 0 : index
        %swap3A_77 = tpu.vector_load %arg11[%swap3A, %swap3A_76] {strides = array<i32>} : memref<128x16xf32, #tpu.memory_space<vmem>>, vector<1x16xf32>,
        %swap3A_78 = vector.shape_cast %swap3A_77 : vector<1x16xf32> to vector<16xf32>
        %swap3A_79 = vector.shape_cast %sub3A_75 : vector<16xf32> to vector<1x16xf32>
        tpu.vector_store %arg11[%swap3A, %swap3A_76], %swap3A_79 {strides = array<i32>} : memref<128x16xf32, #tpu.memory_space<vmem>>, vector<1x16xf32>,
        %scan3A_80 = arith.constant 0 : i32
        scf.yield %scan3A_80 : i32
      }
      %scan3A_60 = arith.constant 128 : i32
      %mul3A_61 = arith.constant 128 : i32
      %mul3A_62 = arith.muli %add3A_38, %mul3A_61 : i32
      "tpu.region"() ({
        %run_scoped3A = tpu.sem_alloc : memref<!tpu.dma_semaphore, #tpu.memory_space<semaphore_mem>>
        %dma_start3A_66 = arith.constant 0 : i32
        %dma_start3A_67 = tpu.memref_slice %arg6[%mul3A_62, %dma_start3A_66] : memref<320000x64xf32, #tpu.memory_space<hbm>> -> memref<128x64xf32, #tpu.memory_space<hbm>>
        %dma_start3A_68 = arith.constant 0 : i32
        %dma_start3A_69 = tpu.memref_slice %arg6[%mul3A_62, %dma_start3A_68] : memref<320000x64xf32, #tpu.memory_space<hbm>> -> memref<128x64xf32, #tpu.memory_space<hbm>>
        tpu.enqueue_dma source(%arg10 : memref<128x64xf32, #tpu.memory_space<vmem>>) target(%dma_start3A_69 : memref<128x64xf32, #tpu.memory_space<hbm>>) target_semaphore(%run_scoped3A : memref<!tpu.dma_semaphore, #tpu.memory_space<semaphore_mem>>)
        %dma_wait3A_70 = arith.constant 0 : i32
        %dma_wait3A_71 = tpu.memref_slice %arg6[%mul3A_62, %dma_wait3A_70] : memref<320000x64xf32, #tpu.memory_space<hbm>> -> memref<128x64xf32, #tpu.memory_space<hbm>>
        %dma_wait3A_72 = arith.constant 0 : i32
        %dma_wait3A_73 = tpu.memref_slice %arg6[%mul3A_62, %dma_wait3A_72] : memref<320000x64xf32, #tpu.memory_space<hbm>> -> memref<128x64xf32, #tpu.memory_space<hbm>>
        tpu.wait_dma2 semaphore(%run_scoped3A : memref<!tpu.dma_semaphore, #tpu.memory_space<semaphore_mem>>) src(%arg10 : memref<128x64xf32, #tpu.memory_space<vmem>>) dst(%dma_wait3A_73 : memref<128x64xf32, #tpu.memory_space<hbm>>)
        tpu.yield
      }) : () -> ()
      %mul3A_63 = arith.constant 128 : i32
      %mul3A_64 = arith.muli %add3A_38, %mul3A_63 : i32
      "tpu.region"() ({
        %run_scoped3A = tpu.sem_alloc : memref<!tpu.dma_semaphore, #tpu.memory_space<semaphore_mem>>
        %dma_start3A_66 = arith.constant 0 : i32
        %dma_start3A_67 = tpu.memref_slice %arg7[%mul3A_64, %dma_start3A_66] : memref<320000x16xf32, #tpu.memory_space<hbm>> -> memref<128x16xf32, #tpu.memory_space<hbm>>
        %dma_start3A_68 = arith.constant 0 : i32
        %dma_start3A_69 = tpu.memref_slice %arg7[%mul3A_64, %dma_start3A_68] : memref<320000x16xf32, #tpu.memory_space<hbm>> -> memref<128x16xf32, #tpu.memory_space<hbm>>
        tpu.enqueue_dma source(%arg11 : memref<128x16xf32, #tpu.memory_space<vmem>>) target(%dma_start3A_69 : memref<128x16xf32, #tpu.memory_space<hbm>>) target_semaphore(%run_scoped3A : memref<!tpu.dma_semaphore, #tpu.memory_space<semaphore_mem>>)
        %dma_wait3A_70 = arith.constant 0 : i32
        %dma_wait3A_71 = tpu.memref_slice %arg7[%mul3A_64, %dma_wait3A_70] : memref<320000x16xf32, #tpu.memory_space<hbm>> -> memref<128x16xf32, #tpu.memory_space<hbm>>
        %dma_wait3A_72 = arith.constant 0 : i32
        %dma_wait3A_73 = tpu.memref_slice %arg7[%mul3A_64, %dma_wait3A_72] : memref<320000x16xf32, #tpu.memory_space<hbm>> -> memref<128x16xf32, #tpu.memory_space<hbm>>
        tpu.wait_dma2 semaphore(%run_scoped3A : memref<!tpu.dma_semaphore, #tpu.memory_space<semaphore_mem>>) src(%arg11 : memref<128x16xf32, #tpu.memory_space<vmem>>) dst(%dma_wait3A_73 : memref<128x16xf32, #tpu.memory_space<hbm>>)
        tpu.yield
      }) : () -> ()
      %while3A_65 = arith.constant 0 : i32
      scf.yield %while3A_65 : i32
    }
    %while3A_32 = arith.constant 1 : i32
    %while3A_33 = scf.for %while3A_34 = %while3A_29 to %while3A_25 step %while3A_32 iter_args(%while3A_35 = %while3A_31) -> (i32)  : i32 {
      %mul3A_36 = arith.constant 32 : i32
      %mul3A_37 = arith.muli %while3A_34, %mul3A_36 : i32
      %add3A_38 = arith.addi %add3A, %mul3A_37 : i32
      "tpu.region"() ({
        %run_scoped3A = tpu.sem_alloc : memref<!tpu.dma_semaphore, #tpu.memory_space<semaphore_mem>>
        %dma_start3A_66 = arith.constant 0 : i32
        %dma_start3A_67 = tpu.memref_slice %arg4[%add3A_38, %dma_start3A_66] : memref<2500x128xi32, #tpu.memory_space<hbm>> -> memref<1x128xi32, #tpu.memory_space<hbm>>
        %dma_start3A_68 = tpu.memref_squeeze %dma_start3A_67 : memref<1x128xi32, #tpu.memory_space<hbm>> -> memref<128xi32, #tpu.memory_space<hbm>>
        %dma_start3A_69 = arith.constant 0 : i32
        %dma_start3A_70 = tpu.memref_slice %arg4[%add3A_38, %dma_start3A_69] : memref<2500x128xi32, #tpu.memory_space<hbm>> -> memref<1x128xi32, #tpu.memory_space<hbm>>
        %dma_start3A_71 = tpu.memref_squeeze %dma_start3A_70 : memref<1x128xi32, #tpu.memory_space<hbm>> -> memref<128xi32, #tpu.memory_space<hbm>>
        tpu.enqueue_dma source(%dma_start3A_71 : memref<128xi32, #tpu.memory_space<hbm>>) target(%arg8 : memref<128xi32, #tpu.memory_space<vmem>>) target_semaphore(%run_scoped3A : memref<!tpu.dma_semaphore, #tpu.memory_space<semaphore_mem>>)
        %dma_wait3A_72 = arith.constant 0 : i32
        %dma_wait3A_73 = tpu.memref_slice %arg4[%add3A_38, %dma_wait3A_72] : memref<2500x128xi32, #tpu.memory_space<hbm>> -> memref<1x128xi32, #tpu.memory_space<hbm>>
        %dma_wait3A_74 = tpu.memref_squeeze %dma_wait3A_73 : memref<1x128xi32, #tpu.memory_space<hbm>> -> memref<128xi32, #tpu.memory_space<hbm>>
        %dma_wait3A_75 = arith.constant 0 : i32
        %dma_wait3A_76 = tpu.memref_slice %arg4[%add3A_38, %dma_wait3A_75] : memref<2500x128xi32, #tpu.memory_space<hbm>> -> memref<1x128xi32, #tpu.memory_space<hbm>>
        %dma_wait3A_77 = tpu.memref_squeeze %dma_wait3A_76 : memref<1x128xi32, #tpu.memory_space<hbm>> -> memref<128xi32, #tpu.memory_space<hbm>>
        tpu.wait_dma2 semaphore(%run_scoped3A : memref<!tpu.dma_semaphore, #tpu.memory_space<semaphore_mem>>) src(%dma_wait3A_77 : memref<128xi32, #tpu.memory_space<hbm>>) dst(%arg8 : memref<128xi32, #tpu.memory_space<vmem>>)
        tpu.yield
      }) : () -> ()
      "tpu.region"() ({
        %run_scoped3A = tpu.sem_alloc : memref<!tpu.dma_semaphore, #tpu.memory_space<semaphore_mem>>
        %dma_start3A_66 = arith.constant 0 : i32
        %dma_start3A_67 = tpu.memref_slice %arg5[%add3A_38, %dma_start3A_66] : memref<2500x128xi32, #tpu.memory_space<hbm>> -> memref<1x128xi32, #tpu.memory_space<hbm>>
        %dma_start3A_68 = tpu.memref_squeeze %dma_start3A_67 : memref<1x128xi32, #tpu.memory_space<hbm>> -> memref<128xi32, #tpu.memory_space<hbm>>
        %dma_start3A_69 = arith.constant 0 : i32
        %dma_start3A_70 = tpu.memref_slice %arg5[%add3A_38, %dma_start3A_69] : memref<2500x128xi32, #tpu.memory_space<hbm>> -> memref<1x128xi32, #tpu.memory_space<hbm>>
        %dma_start3A_71 = tpu.memref_squeeze %dma_start3A_70 : memref<1x128xi32, #tpu.memory_space<hbm>> -> memref<128xi32, #tpu.memory_space<hbm>>
        tpu.enqueue_dma source(%dma_start3A_71 : memref<128xi32, #tpu.memory_space<hbm>>) target(%arg9 : memref<128xi32, #tpu.memory_space<vmem>>) target_semaphore(%run_scoped3A : memref<!tpu.dma_semaphore, #tpu.memory_space<semaphore_mem>>)
        %dma_wait3A_72 = arith.constant 0 : i32
        %dma_wait3A_73 = tpu.memref_slice %arg5[%add3A_38, %dma_wait3A_72] : memref<2500x128xi32, #tpu.memory_space<hbm>> -> memref<1x128xi32, #tpu.memory_space<hbm>>
        %dma_wait3A_74 = tpu.memref_squeeze %dma_wait3A_73 : memref<1x128xi32, #tpu.memory_space<hbm>> -> memref<128xi32, #tpu.memory_space<hbm>>
        %dma_wait3A_75 = arith.constant 0 : i32
        %dma_wait3A_76 = tpu.memref_slice %arg5[%add3A_38, %dma_wait3A_75] : memref<2500x128xi32, #tpu.memory_space<hbm>> -> memref<1x128xi32, #tpu.memory_space<hbm>>
        %dma_wait3A_77 = tpu.memref_squeeze %dma_wait3A_76 : memref<1x128xi32, #tpu.memory_space<hbm>> -> memref<128xi32, #tpu.memory_space<hbm>>
        tpu.wait_dma2 semaphore(%run_scoped3A : memref<!tpu.dma_semaphore, #tpu.memory_space<semaphore_mem>>) src(%dma_wait3A_77 : memref<128xi32, #tpu.memory_space<hbm>>) dst(%arg9 : memref<128xi32, #tpu.memory_space<vmem>>)
        tpu.yield
      }) : () -> ()
      %dma_start3A = arith.constant 0 : i32
      %dma_start3A_39 = arith.constant 0 : i32
      %dma_start3A_40 = tpu.memref_slice %arg2[%dma_start3A, %dma_start3A_39] : memref<10000x64xf32, #tpu.memory_space<hbm>> -> memref<10000x64xf32, #tpu.memory_space<hbm>>
      tpu.enqueue_indirect_dma source(%dma_start3A_40 : memref<10000x64xf32, #tpu.memory_space<hbm>>) target(%arg10 : memref<128x64xf32, #tpu.memory_space<vmem>>) offsets(%arg8 : memref<128xi32, #tpu.memory_space<vmem>>) semaphore(%arg13 : memref<!tpu.dma_semaphore, #tpu.memory_space<semaphore_mem>>)
      %dma_start3A_41 = arith.constant 0 : i32
      %dma_start3A_42 = arith.constant 0 : i32
      %dma_start3A_43 = tpu.memref_slice %arg3[%dma_start3A_41, %dma_start3A_42] : memref<10000x16xf32, #tpu.memory_space<hbm>> -> memref<10000x16xf32, #tpu.memory_space<hbm>>
      tpu.enqueue_indirect_dma source(%dma_start3A_43 : memref<10000x16xf32, #tpu.memory_space<hbm>>) target(%arg11 : memref<128x16xf32, #tpu.memory_space<vmem>>) offsets(%arg8 : memref<128xi32, #tpu.memory_space<vmem>>) semaphore(%arg14 : memref<!tpu.dma_semaphore, #tpu.memory_space<semaphore_mem>>)
      %dma_start3A_44 = arith.constant 0 : i32
      %dma_start3A_45 = arith.constant 0 : i32
      %dma_start3A_46 = tpu.memref_slice %arg3[%dma_start3A_44, %dma_start3A_45] : memref<10000x16xf32, #tpu.memory_space<hbm>> -> memref<10000x16xf32, #tpu.memory_space<hbm>>
      tpu.enqueue_indirect_dma source(%dma_start3A_46 : memref<10000x16xf32, #tpu.memory_space<hbm>>) target(%arg12 : memref<128x16xf32, #tpu.memory_space<vmem>>) offsets(%arg9 : memref<128xi32, #tpu.memory_space<vmem>>) semaphore(%arg15 : memref<!tpu.dma_semaphore, #tpu.memory_space<semaphore_mem>>)
      %dma_wait3A = arith.constant 0 : i32
      %dma_wait3A_47 = arith.constant 0 : i32
      %dma_wait3A_48 = tpu.memref_slice %arg2[%dma_wait3A, %dma_wait3A_47] : memref<10000x64xf32, #tpu.memory_space<hbm>> -> memref<10000x64xf32, #tpu.memory_space<hbm>>
      tpu.wait_indirect_dma semaphore(%arg13 : memref<!tpu.dma_semaphore, #tpu.memory_space<semaphore_mem>>) src(%dma_wait3A_48 : memref<10000x64xf32, #tpu.memory_space<hbm>>) dst(%arg10 : memref<128x64xf32, #tpu.memory_space<vmem>>)
      %dma_wait3A_49 = arith.constant 0 : i32
      %dma_wait3A_50 = arith.constant 0 : i32
      %dma_wait3A_51 = tpu.memref_slice %arg3[%dma_wait3A_49, %dma_wait3A_50] : memref<10000x16xf32, #tpu.memory_space<hbm>> -> memref<10000x16xf32, #tpu.memory_space<hbm>>
      tpu.wait_indirect_dma semaphore(%arg14 : memref<!tpu.dma_semaphore, #tpu.memory_space<semaphore_mem>>) src(%dma_wait3A_51 : memref<10000x16xf32, #tpu.memory_space<hbm>>) dst(%arg11 : memref<128x16xf32, #tpu.memory_space<vmem>>)
      %dma_wait3A_52 = arith.constant 0 : i32
      %dma_wait3A_53 = arith.constant 0 : i32
      %dma_wait3A_54 = tpu.memref_slice %arg3[%dma_wait3A_52, %dma_wait3A_53] : memref<10000x16xf32, #tpu.memory_space<hbm>> -> memref<10000x16xf32, #tpu.memory_space<hbm>>
      tpu.wait_indirect_dma semaphore(%arg15 : memref<!tpu.dma_semaphore, #tpu.memory_space<semaphore_mem>>) src(%dma_wait3A_54 : memref<10000x16xf32, #tpu.memory_space<hbm>>) dst(%arg12 : memref<128x16xf32, #tpu.memory_space<vmem>>)
      %scan3A = arith.constant 0 : i32
      %scan3A_55 = arith.constant 0 : i32
      %scan3A_56 = arith.constant 128 : i32
      %scan3A_57 = arith.addi %scan3A_55, %scan3A_56 : i32
      %scan3A_58 = arith.constant 1 : i32
      %scan3A_59 = scf.for %scan3A_66 = %scan3A_55 to %scan3A_57 step %scan3A_58 iter_args(%scan3A_67 = %scan3A) -> (i32)  : i32 {
        %get3A = arith.index_cast %scan3A_66 : i32 to index
        %get3A_68 = arith.constant 0 : index
        %get3A_69 = tpu.vector_load %arg11[%get3A, %get3A_68] {strides = array<i32>} : memref<128x16xf32, #tpu.memory_space<vmem>>, vector<1x16xf32>,
        %get3A_70 = vector.shape_cast %get3A_69 : vector<1x16xf32> to vector<16xf32>
        %get3A_71 = arith.index_cast %scan3A_66 : i32 to index
        %get3A_72 = arith.constant 0 : index
        %get3A_73 = tpu.vector_load %arg12[%get3A_71, %get3A_72] {strides = array<i32>} : memref<128x16xf32, #tpu.memory_space<vmem>>, vector<1x16xf32>,
        %get3A_74 = vector.shape_cast %get3A_73 : vector<1x16xf32> to vector<16xf32>
        %sub3A_75 = arith.subf %get3A_70, %get3A_74 : vector<16xf32>
        %swap3A = arith.index_cast %scan3A_66 : i32 to index
        %swap3A_76 = arith.constant 0 : index
        %swap3A_77 = tpu.vector_load %arg11[%swap3A, %swap3A_76] {strides = array<i32>} : memref<128x16xf32, #tpu.memory_space<vmem>>, vector<1x16xf32>,
        %swap3A_78 = vector.shape_cast %swap3A_77 : vector<1x16xf32> to vector<16xf32>
        %swap3A_79 = vector.shape_cast %sub3A_75 : vector<16xf32> to vector<1x16xf32>
        tpu.vector_store %arg11[%swap3A, %swap3A_76], %swap3A_79 {strides = array<i32>} : memref<128x16xf32, #tpu.memory_space<vmem>>, vector<1x16xf32>,
        %scan3A_80 = arith.constant 0 : i32
        scf.yield %scan3A_80 : i32
      }
      %scan3A_60 = arith.constant 128 : i32
      %mul3A_61 = arith.constant 128 : i32
      %mul3A_62 = arith.muli %add3A_38, %mul3A_61 : i32
      "tpu.region"() ({
        %run_scoped3A = tpu.sem_alloc : memref<!tpu.dma_semaphore, #tpu.memory_space<semaphore_mem>>
        %dma_start3A_66 = arith.constant 0 : i32
        %dma_start3A_67 = tpu.memref_slice %arg6[%mul3A_62, %dma_start3A_66] : memref<320000x64xf32, #tpu.memory_space<hbm>> -> memref<128x64xf32, #tpu.memory_space<hbm>>
        %dma_start3A_68 = arith.constant 0 : i32
        %dma_start3A_69 = tpu.memref_slice %arg6[%mul3A_62, %dma_start3A_68] : memref<320000x64xf32, #tpu.memory_space<hbm>> -> memref<128x64xf32, #tpu.memory_space<hbm>>
        tpu.enqueue_dma source(%arg10 : memref<128x64xf32, #tpu.memory_space<vmem>>) target(%dma_start3A_69 : memref<128x64xf32, #tpu.memory_space<hbm>>) target_semaphore(%run_scoped3A : memref<!tpu.dma_semaphore, #tpu.memory_space<semaphore_mem>>)
        %dma_wait3A_70 = arith.constant 0 : i32
        %dma_wait3A_71 = tpu.memref_slice %arg6[%mul3A_62, %dma_wait3A_70] : memref<320000x64xf32, #tpu.memory_space<hbm>> -> memref<128x64xf32, #tpu.memory_space<hbm>>
        %dma_wait3A_72 = arith.constant 0 : i32
        %dma_wait3A_73 = tpu.memref_slice %arg6[%mul3A_62, %dma_wait3A_72] : memref<320000x64xf32, #tpu.memory_space<hbm>> -> memref<128x64xf32, #tpu.memory_space<hbm>>
        tpu.wait_dma2 semaphore(%run_scoped3A : memref<!tpu.dma_semaphore, #tpu.memory_space<semaphore_mem>>) src(%arg10 : memref<128x64xf32, #tpu.memory_space<vmem>>) dst(%dma_wait3A_73 : memref<128x64xf32, #tpu.memory_space<hbm>>)
        tpu.yield
      }) : () -> ()
      %mul3A_63 = arith.constant 128 : i32
      %mul3A_64 = arith.muli %add3A_38, %mul3A_63 : i32
      "tpu.region"() ({
        %run_scoped3A = tpu.sem_alloc : memref<!tpu.dma_semaphore, #tpu.memory_space<semaphore_mem>>
        %dma_start3A_66 = arith.constant 0 : i32
        %dma_start3A_67 = tpu.memref_slice %arg7[%mul3A_64, %dma_start3A_66] : memref<320000x16xf32, #tpu.memory_space<hbm>> -> memref<128x16xf32, #tpu.memory_space<hbm>>
        %dma_start3A_68 = arith.constant 0 : i32
        %dma_start3A_69 = tpu.memref_slice %arg7[%mul3A_64, %dma_start3A_68] : memref<320000x16xf32, #tpu.memory_space<hbm>> -> memref<128x16xf32, #tpu.memory_space<hbm>>
        tpu.enqueue_dma source(%arg11 : memref<128x16xf32, #tpu.memory_space<vmem>>) target(%dma_start3A_69 : memref<128x16xf32, #tpu.memory_space<hbm>>) target_semaphore(%run_scoped3A : memref<!tpu.dma_semaphore, #tpu.memory_space<semaphore_mem>>)
        %dma_wait3A_70 = arith.constant 0 : i32
        %dma_wait3A_71 = tpu.memref_slice %arg7[%mul3A_64, %dma_wait3A_70] : memref<320000x16xf32, #tpu.memory_space<hbm>> -> memref<128x16xf32, #tpu.memory_space<hbm>>
        %dma_wait3A_72 = arith.constant 0 : i32
        %dma_wait3A_73 = tpu.memref_slice %arg7[%mul3A_64, %dma_wait3A_72] : memref<320000x16xf32, #tpu.memory_space<hbm>> -> memref<128x16xf32, #tpu.memory_space<hbm>>
        tpu.wait_dma2 semaphore(%run_scoped3A : memref<!tpu.dma_semaphore, #tpu.memory_space<semaphore_mem>>) src(%arg11 : memref<128x16xf32, #tpu.memory_space<vmem>>) dst(%dma_wait3A_73 : memref<128x16xf32, #tpu.memory_space<hbm>>)
        tpu.yield
      }) : () -> ()
      %while3A_65 = arith.constant 0 : i32
      scf.yield %while3A_65 : i32
    }
    return
  }
}

module attributes {stable_mosaic.version = 14 : i64} {
  func.func @_k1_body(%arg0: i32, %arg1: memref<1000x128xf32, #tpu.memory_space<vmem>>, %arg2: memref<128x64xf32, #tpu.memory_space<vmem>>, %arg3: memref<8x64xf32, #tpu.memory_space<vmem>>, %arg4: memref<1000x64xf32, #tpu.memory_space<vmem>>) attributes {dimension_semantics = [#tpu.dimension_semantics<arbitrary>], iteration_bounds = array<i64: 10>, scalar_prefetch = 0 : i64, scratch_operands = 0 : i64, tpu.core_type = #tpu.core_type<tc>, window_params = [{transform_indices = @transform_0, window_bounds = array<i64: 1000, 128>}, {pipeline_mode = #tpu.pipeline_mode<synchronous>, transform_indices = @transform_1, window_bounds = array<i64: 128, 64>}, {pipeline_mode = #tpu.pipeline_mode<synchronous>, transform_indices = @transform_2, window_bounds = array<i64: 8, 64>}, {transform_indices = @transform_3, window_bounds = array<i64: 1000, 64>}]} {
    %get3A = arith.constant 0 : index
    %get3A_0 = arith.constant 0 : index
    %get3A_1 = vector.load %arg1[%get3A, %get3A_0] : memref<1000x128xf32, #tpu.memory_space<vmem>>, vector<1000x128xf32>
    %get3A_2 = arith.constant 0 : index
    %get3A_3 = arith.constant 0 : index
    %get3A_4 = vector.load %arg2[%get3A_2, %get3A_3] : memref<128x64xf32, #tpu.memory_space<vmem>>, vector<128x64xf32>
    %dot_general3A = arith.constant dense<0.000000e+00> : vector<1000x64xf32>
    %dot_general3A_5 = tpu.matmul %get3A_1, %get3A_4, %dot_general3A {dimension_numbers = #tpu.dot_dimension_numbers<[1], [0], [0], [1], [0, 0, 1, 1], [], []>, transpose_lhs_hint = false} : vector<1000x128xf32>, vector<128x64xf32>, vector<1000x64xf32> -> vector<1000x64xf32>
    %get3A_6 = arith.constant 0 : index
    %get3A_7 = arith.constant 0 : index
    %get3A_8 = vector.load %arg3[%get3A_6, %get3A_7] : memref<8x64xf32, #tpu.memory_space<vmem>>, vector<1x64xf32>
    %add3A = vector.broadcast %get3A_8 : vector<1x64xf32> to vector<1000x64xf32>
    %add3A_9 = arith.addf %dot_general3A_5, %add3A : vector<1000x64xf32>
    %swap3A = arith.constant 0 : index
    %swap3A_10 = arith.constant 0 : index
    %swap3A_11 = vector.load %arg4[%swap3A, %swap3A_10] : memref<1000x64xf32, #tpu.memory_space<vmem>>, vector<1000x64xf32>
    tpu.vector_store %arg4[%swap3A, %swap3A_10], %add3A_9 {strides = array<i32>} : memref<1000x64xf32, #tpu.memory_space<vmem>>, vector<1000x64xf32>,
    return
  }
  func.func @transform_0(%arg0: i32) -> (i32, i32) {
    %c0_i32 = arith.constant 0 : i32
    %c0_i32_0 = arith.constant 0 : i32
    return %arg0, %c0_i32 : i32, i32
  }
  func.func @transform_1(%arg0: i32) -> (i32, i32) {
    %c0_i32 = arith.constant 0 : i32
    %c0_i32_0 = arith.constant 0 : i32
    %c0_i32_1 = arith.constant 0 : i32
    return %c0_i32, %c0_i32_0 : i32, i32
  }
  func.func @transform_2(%arg0: i32) -> (i32, i32) {
    %c0_i32 = arith.constant 0 : i32
    %c0_i32_0 = arith.constant 0 : i32
    %c0_i32_1 = arith.constant 0 : i32
    return %c0_i32, %c0_i32_0 : i32, i32
  }
  func.func @transform_3(%arg0: i32) -> (i32, i32) {
    %c0_i32 = arith.constant 0 : i32
    %c0_i32_0 = arith.constant 0 : i32
    return %arg0, %c0_i32 : i32, i32
  }
}

module attributes {stable_mosaic.version = 14 : i64} {
  func.func @_k1b_body(%arg0: i32, %arg1: memref<2560x64xf32, #tpu.memory_space<vmem>>, %arg2: memref<2560x16xf32, #tpu.memory_space<vmem>>, %arg3: memref<16x64xf32, #tpu.memory_space<vmem>>, %arg4: memref<8x64xf32, #tpu.memory_space<vmem>>) attributes {dimension_semantics = [#tpu.dimension_semantics<arbitrary>], iteration_bounds = array<i64: 125>, scalar_prefetch = 0 : i64, scratch_operands = 0 : i64, tpu.core_type = #tpu.core_type<tc>, window_params = [{transform_indices = @transform_0, window_bounds = array<i64: 2560, 64>}, {transform_indices = @transform_1, window_bounds = array<i64: 2560, 16>}, {pipeline_mode = #tpu.pipeline_mode<synchronous>, transform_indices = @transform_2, window_bounds = array<i64: 16, 64>}, {transform_indices = @transform_3, window_bounds = array<i64: 8, 64>}]} {
    %get3A = arith.constant 0 : index
    %get3A_0 = arith.constant 0 : index
    %get3A_1 = vector.load %arg1[%get3A, %get3A_0] : memref<2560x64xf32, #tpu.memory_space<vmem>>, vector<2560x64xf32>
    %get3A_2 = arith.constant 0 : index
    %get3A_3 = arith.constant 0 : index
    %get3A_4 = vector.load %arg2[%get3A_2, %get3A_3] : memref<2560x16xf32, #tpu.memory_space<vmem>>, vector<2560x16xf32>
    %get3A_5 = arith.constant 0 : index
    %get3A_6 = arith.constant 0 : index
    %get3A_7 = vector.load %arg3[%get3A_5, %get3A_6] : memref<16x64xf32, #tpu.memory_space<vmem>>, vector<16x64xf32>
    %dot_general3A = arith.constant dense<0.000000e+00> : vector<2560x64xf32>
    %dot_general3A_8 = tpu.matmul %get3A_4, %get3A_7, %dot_general3A {dimension_numbers = #tpu.dot_dimension_numbers<[1], [0], [0], [1], [0, 0, 1, 1], [], []>, transpose_lhs_hint = false} : vector<2560x16xf32>, vector<16x64xf32>, vector<2560x64xf32> -> vector<2560x64xf32>
    %add3A = arith.addf %get3A_1, %dot_general3A_8 : vector<2560x64xf32>
    %max3A = arith.constant 0.000000e+00 : f32
    %max3A_9 = vector.broadcast %max3A : f32 to vector<2560x64xf32>
    %max3A_10 = arith.maximumf %add3A, %max3A_9 : vector<2560x64xf32>
    %reduce_sum3A = arith.constant dense<0.000000e+00> : vector<64xf32>
    %reduce_sum3A_11 = vector.multi_reduction <add>, %max3A_10, %reduce_sum3A [0] : vector<2560x64xf32> to vector<64xf32>
    %broadcast_in_dim3A = vector.shape_cast %reduce_sum3A_11 : vector<64xf32> to vector<1x64xf32>
    %div3A = arith.constant 2.560000e+03 : f32
    %div3A_12 = vector.broadcast %div3A : f32 to vector<1x64xf32>
    %div3A_13 = arith.divf %broadcast_in_dim3A, %div3A_12 : vector<1x64xf32>
    %sub3A = vector.broadcast %div3A_13 : vector<1x64xf32> to vector<2560x64xf32>
    %sub3A_14 = arith.subf %max3A_10, %sub3A : vector<2560x64xf32>
    %mul3A = arith.mulf %sub3A_14, %sub3A_14 : vector<2560x64xf32>
    %reduce_sum3A_15 = arith.constant dense<0.000000e+00> : vector<64xf32>
    %reduce_sum3A_16 = vector.multi_reduction <add>, %mul3A, %reduce_sum3A_15 [0] : vector<2560x64xf32> to vector<64xf32>
    %broadcast_in_dim3A_17 = vector.shape_cast %reduce_sum3A_16 : vector<64xf32> to vector<1x64xf32>
    %broadcast_in_dim3A_18 = arith.constant 0.000000e+00 : f32
    %broadcast_in_dim3A_19 = vector.broadcast %broadcast_in_dim3A_18 : f32 to vector<6x64xf32>
    %concatenate3A = tpu.concatenate %div3A_13, %broadcast_in_dim3A_17, %broadcast_in_dim3A_19 in 0 : vector<1x64xf32>, vector<1x64xf32>, vector<6x64xf32> -> vector<8x64xf32>
    %swap3A = arith.constant 0 : index
    %swap3A_20 = arith.constant 0 : index
    %swap3A_21 = vector.load %arg4[%swap3A, %swap3A_20] : memref<8x64xf32, #tpu.memory_space<vmem>>, vector<8x64xf32>
    tpu.vector_store %arg4[%swap3A, %swap3A_20], %concatenate3A {strides = array<i32>} : memref<8x64xf32, #tpu.memory_space<vmem>>, vector<8x64xf32>,
    return
  }
  func.func @transform_0(%arg0: i32) -> (i32, i32) {
    %c0_i32 = arith.constant 0 : i32
    %c0_i32_0 = arith.constant 0 : i32
    return %arg0, %c0_i32 : i32, i32
  }
  func.func @transform_1(%arg0: i32) -> (i32, i32) {
    %c0_i32 = arith.constant 0 : i32
    %c0_i32_0 = arith.constant 0 : i32
    return %arg0, %c0_i32 : i32, i32
  }
  func.func @transform_2(%arg0: i32) -> (i32, i32) {
    %c0_i32 = arith.constant 0 : i32
    %c0_i32_0 = arith.constant 0 : i32
    %c0_i32_1 = arith.constant 0 : i32
    return %c0_i32, %c0_i32_0 : i32, i32
  }
  func.func @transform_3(%arg0: i32) -> (i32, i32) {
    %c0_i32 = arith.constant 0 : i32
    %c0_i32_0 = arith.constant 0 : i32
    return %arg0, %c0_i32 : i32, i32
  }
}

module attributes {stable_mosaic.version = 14 : i64} {
  func.func @_k2_body(%arg0: i32, %arg1: memref<2560x64xf32, #tpu.memory_space<vmem>>, %arg2: memref<2560x16xf32, #tpu.memory_space<vmem>>, %arg3: memref<16x64xf32, #tpu.memory_space<vmem>>, %arg4: memref<8x64xf32, #tpu.memory_space<vmem>>, %arg5: memref<8x64xf32, #tpu.memory_space<vmem>>, %arg6: memref<8x64xf32, #tpu.memory_space<vmem>>, %arg7: memref<8x64xf32, #tpu.memory_space<vmem>>, %arg8: memref<128x64xf32, #tpu.memory_space<vmem>>, %arg9: memref<128x8xf32, #tpu.memory_space<vmem>>, %arg10: memref<128x2560xf32, #tpu.memory_space<vmem>>, %arg11: memref<8x128xf32, #tpu.memory_space<vmem>>) attributes {dimension_semantics = [#tpu.dimension_semantics<arbitrary>], iteration_bounds = array<i64: 125>, scalar_prefetch = 0 : i64, scratch_operands = 0 : i64, tpu.core_type = #tpu.core_type<tc>, window_params = [{transform_indices = @transform_0, window_bounds = array<i64: 2560, 64>}, {transform_indices = @transform_1, window_bounds = array<i64: 2560, 16>}, {pipeline_mode = #tpu.pipeline_mode<synchronous>, transform_indices = @transform_2, window_bounds = array<i64: 16, 64>}, {pipeline_mode = #tpu.pipeline_mode<synchronous>, transform_indices = @transform_3, window_bounds = array<i64: 8, 64>}, {pipeline_mode = #tpu.pipeline_mode<synchronous>, transform_indices = @transform_4, window_bounds = array<i64: 8, 64>}, {pipeline_mode = #tpu.pipeline_mode<synchronous>, transform_indices = @transform_5, window_bounds = array<i64: 8, 64>}, {pipeline_mode = #tpu.pipeline_mode<synchronous>, transform_indices = @transform_6, window_bounds = array<i64: 8, 64>}, {pipeline_mode = #tpu.pipeline_mode<synchronous>, transform_indices = @transform_7, window_bounds = array<i64: 128, 64>}, {pipeline_mode = #tpu.pipeline_mode<synchronous>, transform_indices = @transform_8, window_bounds = array<i64: 128, 8>}, {transform_indices = @transform_9, window_bounds = array<i64: 128, 2560>}, {transform_indices = @transform_10, window_bounds = array<i64: 8, 128>}]} {
    %get3A = arith.constant 0 : index
    %get3A_0 = arith.constant 0 : index
    %get3A_1 = vector.load %arg1[%get3A, %get3A_0] : memref<2560x64xf32, #tpu.memory_space<vmem>>, vector<2560x64xf32>
    %get3A_2 = arith.constant 0 : index
    %get3A_3 = arith.constant 0 : index
    %get3A_4 = vector.load %arg2[%get3A_2, %get3A_3] : memref<2560x16xf32, #tpu.memory_space<vmem>>, vector<2560x16xf32>
    %get3A_5 = arith.constant 0 : index
    %get3A_6 = arith.constant 0 : index
    %get3A_7 = vector.load %arg3[%get3A_5, %get3A_6] : memref<16x64xf32, #tpu.memory_space<vmem>>, vector<16x64xf32>
    %dot_general3A = arith.constant dense<0.000000e+00> : vector<2560x64xf32>
    %dot_general3A_8 = tpu.matmul %get3A_4, %get3A_7, %dot_general3A {dimension_numbers = #tpu.dot_dimension_numbers<[1], [0], [0], [1], [0, 0, 1, 1], [], []>, transpose_lhs_hint = false} : vector<2560x16xf32>, vector<16x64xf32>, vector<2560x64xf32> -> vector<2560x64xf32>
    %add3A = arith.addf %get3A_1, %dot_general3A_8 : vector<2560x64xf32>
    %max3A = arith.constant 0.000000e+00 : f32
    %max3A_9 = vector.broadcast %max3A : f32 to vector<2560x64xf32>
    %max3A_10 = arith.maximumf %add3A, %max3A_9 : vector<2560x64xf32>
    %get3A_11 = arith.constant 0 : index
    %get3A_12 = arith.constant 0 : index
    %get3A_13 = vector.load %arg6[%get3A_11, %get3A_12] : memref<8x64xf32, #tpu.memory_space<vmem>>, vector<1x64xf32>
    %get3A_14 = arith.constant 0 : index
    %get3A_15 = arith.constant 0 : index
    %get3A_16 = vector.load %arg4[%get3A_14, %get3A_15] : memref<8x64xf32, #tpu.memory_space<vmem>>, vector<1x64xf32>
    %sub3A = vector.broadcast %get3A_16 : vector<1x64xf32> to vector<2560x64xf32>
    %sub3A_17 = arith.subf %max3A_10, %sub3A : vector<2560x64xf32>
    %mul3A = vector.broadcast %get3A_13 : vector<1x64xf32> to vector<2560x64xf32>
    %mul3A_18 = arith.mulf %mul3A, %sub3A_17 : vector<2560x64xf32>
    %get3A_19 = arith.constant 0 : index
    %get3A_20 = arith.constant 0 : index
    %get3A_21 = vector.load %arg5[%get3A_19, %get3A_20] : memref<8x64xf32, #tpu.memory_space<vmem>>, vector<1x64xf32>
    %div3A = vector.broadcast %get3A_21 : vector<1x64xf32> to vector<2560x64xf32>
    %div3A_22 = arith.divf %mul3A_18, %div3A : vector<2560x64xf32>
    %get3A_23 = arith.constant 0 : index
    %get3A_24 = arith.constant 0 : index
    %get3A_25 = vector.load %arg7[%get3A_23, %get3A_24] : memref<8x64xf32, #tpu.memory_space<vmem>>, vector<1x64xf32>
    %add3A_26 = vector.broadcast %get3A_25 : vector<1x64xf32> to vector<2560x64xf32>
    %add3A_27 = arith.addf %div3A_22, %add3A_26 : vector<2560x64xf32>
    %get3A_28 = arith.constant 0 : index
    %get3A_29 = arith.constant 0 : index
    %get3A_30 = vector.load %arg8[%get3A_28, %get3A_29] : memref<128x64xf32, #tpu.memory_space<vmem>>, vector<128x64xf32>
    %dot_general3A_31 = arith.constant dense<0.000000e+00> : vector<128x2560xf32>
    %dot_general3A_32 = tpu.matmul %get3A_30, %add3A_27, %dot_general3A_31 {dimension_numbers = #tpu.dot_dimension_numbers<[1], [1], [0], [0], [0, 0, 1, 0], [], []>, transpose_lhs_hint = false} : vector<128x64xf32>, vector<2560x64xf32>, vector<128x2560xf32> -> vector<128x2560xf32>
    %get3A_33 = arith.constant 0 : index
    %get3A_34 = arith.constant 0 : index
    %get3A_35 = vector.load %arg9[%get3A_33, %get3A_34] : memref<128x8xf32, #tpu.memory_space<vmem>>, vector<128x1xf32>
    %add3A_36 = vector.broadcast %get3A_35 : vector<128x1xf32> to vector<128x2560xf32>
    %add3A_37 = arith.addf %dot_general3A_32, %add3A_36 : vector<128x2560xf32>
    %max3A_38 = arith.constant 0.000000e+00 : f32
    %max3A_39 = vector.broadcast %max3A_38 : f32 to vector<128x2560xf32>
    %max3A_40 = arith.maximumf %add3A_37, %max3A_39 : vector<128x2560xf32>
    %swap3A = arith.constant 0 : index
    %swap3A_41 = arith.constant 0 : index
    %swap3A_42 = vector.load %arg10[%swap3A, %swap3A_41] : memref<128x2560xf32, #tpu.memory_space<vmem>>, vector<128x2560xf32>
    tpu.vector_store %arg10[%swap3A, %swap3A_41], %max3A_40 {strides = array<i32>} : memref<128x2560xf32, #tpu.memory_space<vmem>>, vector<128x2560xf32>,
    %reduce_sum3A = arith.constant dense<0.000000e+00> : vector<128xf32>
    %reduce_sum3A_43 = vector.multi_reduction <add>, %max3A_40, %reduce_sum3A [1] : vector<128x2560xf32> to vector<128xf32>
    %broadcast_in_dim3A = vector.shape_cast %reduce_sum3A_43 : vector<128xf32> to vector<128x1xf32>
    %div3A_44 = arith.constant 2.560000e+03 : f32
    %div3A_45 = vector.broadcast %div3A_44 : f32 to vector<128x1xf32>
    %div3A_46 = arith.divf %broadcast_in_dim3A, %div3A_45 : vector<128x1xf32>
    %sub3A_47 = vector.broadcast %div3A_46 : vector<128x1xf32> to vector<128x2560xf32>
    %sub3A_48 = arith.subf %max3A_40, %sub3A_47 : vector<128x2560xf32>
    %mul3A_49 = arith.mulf %sub3A_48, %sub3A_48 : vector<128x2560xf32>
    %reduce_sum3A_50 = arith.constant dense<0.000000e+00> : vector<128xf32>
    %reduce_sum3A_51 = vector.multi_reduction <add>, %mul3A_49, %reduce_sum3A_50 [1] : vector<128x2560xf32> to vector<128xf32>
    %broadcast_in_dim3A_52 = vector.shape_cast %reduce_sum3A_51 : vector<128xf32> to vector<128x1xf32>
    %transpose3A = tpu.transpose %div3A_46, [1, 0] : vector<128x1xf32> -> vector<1x128xf32>
    %transpose3A_53 = tpu.transpose %broadcast_in_dim3A_52, [1, 0] : vector<128x1xf32> -> vector<1x128xf32>
    %broadcast_in_dim3A_54 = arith.constant 0.000000e+00 : f32
    %broadcast_in_dim3A_55 = vector.broadcast %broadcast_in_dim3A_54 : f32 to vector<6x128xf32>
    %concatenate3A = tpu.concatenate %transpose3A, %transpose3A_53, %broadcast_in_dim3A_55 in 0 : vector<1x128xf32>, vector<1x128xf32>, vector<6x128xf32> -> vector<8x128xf32>
    %swap3A_56 = arith.constant 0 : index
    %swap3A_57 = arith.constant 0 : index
    %swap3A_58 = vector.load %arg11[%swap3A_56, %swap3A_57] : memref<8x128xf32, #tpu.memory_space<vmem>>, vector<8x128xf32>
    tpu.vector_store %arg11[%swap3A_56, %swap3A_57], %concatenate3A {strides = array<i32>} : memref<8x128xf32, #tpu.memory_space<vmem>>, vector<8x128xf32>,
    return
  }
  func.func @transform_0(%arg0: i32) -> (i32, i32) {
    %c0_i32 = arith.constant 0 : i32
    %c0_i32_0 = arith.constant 0 : i32
    return %arg0, %c0_i32 : i32, i32
  }
  func.func @transform_1(%arg0: i32) -> (i32, i32) {
    %c0_i32 = arith.constant 0 : i32
    %c0_i32_0 = arith.constant 0 : i32
    return %arg0, %c0_i32 : i32, i32
  }
  func.func @transform_2(%arg0: i32) -> (i32, i32) {
    %c0_i32 = arith.constant 0 : i32
    %c0_i32_0 = arith.constant 0 : i32
    %c0_i32_1 = arith.constant 0 : i32
    return %c0_i32, %c0_i32_0 : i32, i32
  }
  func.func @transform_3(%arg0: i32) -> (i32, i32) {
    %c0_i32 = arith.constant 0 : i32
    %c0_i32_0 = arith.constant 0 : i32
    %c0_i32_1 = arith.constant 0 : i32
    return %c0_i32, %c0_i32_0 : i32, i32
  }
  func.func @transform_4(%arg0: i32) -> (i32, i32) {
    %c0_i32 = arith.constant 0 : i32
    %c0_i32_0 = arith.constant 0 : i32
    %c0_i32_1 = arith.constant 0 : i32
    return %c0_i32, %c0_i32_0 : i32, i32
  }
  func.func @transform_5(%arg0: i32) -> (i32, i32) {
    %c0_i32 = arith.constant 0 : i32
    %c0_i32_0 = arith.constant 0 : i32
    %c0_i32_1 = arith.constant 0 : i32
    return %c0_i32, %c0_i32_0 : i32, i32
  }
  func.func @transform_6(%arg0: i32) -> (i32, i32) {
    %c0_i32 = arith.constant 0 : i32
    %c0_i32_0 = arith.constant 0 : i32
    %c0_i32_1 = arith.constant 0 : i32
    return %c0_i32, %c0_i32_0 : i32, i32
  }
  func.func @transform_7(%arg0: i32) -> (i32, i32) {
    %c0_i32 = arith.constant 0 : i32
    %c0_i32_0 = arith.constant 0 : i32
    %c0_i32_1 = arith.constant 0 : i32
    return %c0_i32, %c0_i32_0 : i32, i32
  }
  func.func @transform_8(%arg0: i32) -> (i32, i32) {
    %c0_i32 = arith.constant 0 : i32
    %c0_i32_0 = arith.constant 0 : i32
    %c0_i32_1 = arith.constant 0 : i32
    return %c0_i32, %c0_i32_0 : i32, i32
  }
  func.func @transform_9(%arg0: i32) -> (i32, i32) {
    %c0_i32 = arith.constant 0 : i32
    %c0_i32_0 = arith.constant 0 : i32
    return %c0_i32, %arg0 : i32, i32
  }
  func.func @transform_10(%arg0: i32) -> (i32, i32) {
    %c0_i32 = arith.constant 0 : i32
    %c0_i32_0 = arith.constant 0 : i32
    return %arg0, %c0_i32 : i32, i32
  }
}

module attributes {stable_mosaic.version = 14 : i64} {
  func.func @_k3_body(%arg0: memref<128x10000xf32, #tpu.memory_space<vmem>>, %arg1: memref<16x10000xf32, #tpu.memory_space<vmem>>, %arg2: memref<128x8xf32, #tpu.memory_space<vmem>>, %arg3: memref<128x8xf32, #tpu.memory_space<vmem>>, %arg4: memref<128x8xf32, #tpu.memory_space<vmem>>, %arg5: memref<128x8xf32, #tpu.memory_space<vmem>>, %arg6: memref<128x128xf32, #tpu.memory_space<vmem>>, %arg7: memref<128x16xf32, #tpu.memory_space<vmem>>, %arg8: memref<128x8xf32, #tpu.memory_space<vmem>>, %arg9: memref<128x10000xf32, #tpu.memory_space<vmem>>, %arg10: memref<8x128xf32, #tpu.memory_space<vmem>>) attributes {dimension_semantics = [], scalar_prefetch = 0 : i64, scratch_operands = 0 : i64, tpu.core_type = #tpu.core_type<tc>} {
    %get3A = arith.constant 0 : index
    %get3A_0 = arith.constant 0 : index
    %get3A_1 = vector.load %arg0[%get3A, %get3A_0] : memref<128x10000xf32, #tpu.memory_space<vmem>>, vector<128x10000xf32>
    %lt3A = arith.constant 0.000000e+00 : f32
    %lt3A_2 = vector.broadcast %lt3A : f32 to vector<128x10000xf32>
    %lt3A_3 = arith.cmpf olt, %get3A_1, %lt3A_2 : vector<128x10000xf32>
    %get3A_4 = arith.constant 0 : index
    %get3A_5 = arith.constant 0 : index
    %get3A_6 = vector.load %arg4[%get3A_4, %get3A_5] : memref<128x8xf32, #tpu.memory_space<vmem>>, vector<128x1xf32>
    %get3A_7 = arith.constant 0 : index
    %get3A_8 = arith.constant 0 : index
    %get3A_9 = vector.load %arg2[%get3A_7, %get3A_8] : memref<128x8xf32, #tpu.memory_space<vmem>>, vector<128x1xf32>
    %sub3A = vector.broadcast %get3A_9 : vector<128x1xf32> to vector<128x10000xf32>
    %sub3A_10 = arith.subf %get3A_1, %sub3A : vector<128x10000xf32>
    %mul3A = vector.broadcast %get3A_6 : vector<128x1xf32> to vector<128x10000xf32>
    %mul3A_11 = arith.mulf %mul3A, %sub3A_10 : vector<128x10000xf32>
    %get3A_12 = arith.constant 0 : index
    %get3A_13 = arith.constant 0 : index
    %get3A_14 = vector.load %arg3[%get3A_12, %get3A_13] : memref<128x8xf32, #tpu.memory_space<vmem>>, vector<128x1xf32>
    %div3A = vector.broadcast %get3A_14 : vector<128x1xf32> to vector<128x10000xf32>
    %div3A_15 = arith.divf %mul3A_11, %div3A : vector<128x10000xf32>
    %get3A_16 = arith.constant 0 : index
    %get3A_17 = arith.constant 0 : index
    %get3A_18 = vector.load %arg5[%get3A_16, %get3A_17] : memref<128x8xf32, #tpu.memory_space<vmem>>, vector<128x1xf32>
    %add3A = vector.broadcast %get3A_18 : vector<128x1xf32> to vector<128x10000xf32>
    %add3A_19 = arith.addf %div3A_15, %add3A : vector<128x10000xf32>
    %jit3A = arith.constant 0.000000e+00 : f32
    %broadcast_in_dim3A = vector.broadcast %jit3A : f32 to vector<128x10000xf32>
    %select_n3A = arith.select %lt3A_3, %broadcast_in_dim3A, %add3A_19 : vector<128x10000xi1>, vector<128x10000xf32>
    %get3A_20 = arith.constant 0 : index
    %get3A_21 = arith.constant 0 : index
    %get3A_22 = vector.load %arg6[%get3A_20, %get3A_21] : memref<128x128xf32, #tpu.memory_space<vmem>>, vector<128x128xf32>
    %dot_general3A = arith.constant dense<0.000000e+00> : vector<128x10000xf32>
    %dot_general3A_23 = tpu.matmul %get3A_22, %select_n3A, %dot_general3A {dimension_numbers = #tpu.dot_dimension_numbers<[1], [0], [0], [1], [0, 0, 1, 1], [], []>, transpose_lhs_hint = false} : vector<128x128xf32>, vector<128x10000xf32>, vector<128x10000xf32> -> vector<128x10000xf32>
    %get3A_24 = arith.constant 0 : index
    %get3A_25 = arith.constant 0 : index
    %get3A_26 = vector.load %arg7[%get3A_24, %get3A_25] : memref<128x16xf32, #tpu.memory_space<vmem>>, vector<128x16xf32>
    %get3A_27 = arith.constant 0 : index
    %get3A_28 = arith.constant 0 : index
    %get3A_29 = vector.load %arg1[%get3A_27, %get3A_28] : memref<16x10000xf32, #tpu.memory_space<vmem>>, vector<16x10000xf32>
    %dot_general3A_30 = arith.constant dense<0.000000e+00> : vector<128x10000xf32>
    %dot_general3A_31 = tpu.matmul %get3A_26, %get3A_29, %dot_general3A_30 {dimension_numbers = #tpu.dot_dimension_numbers<[1], [0], [0], [1], [0, 0, 1, 1], [], []>, transpose_lhs_hint = false} : vector<128x16xf32>, vector<16x10000xf32>, vector<128x10000xf32> -> vector<128x10000xf32>
    %add3A_32 = arith.addf %dot_general3A_23, %dot_general3A_31 : vector<128x10000xf32>
    %get3A_33 = arith.constant 0 : index
    %get3A_34 = arith.constant 0 : index
    %get3A_35 = vector.load %arg8[%get3A_33, %get3A_34] : memref<128x8xf32, #tpu.memory_space<vmem>>, vector<128x1xf32>
    %add3A_36 = vector.broadcast %get3A_35 : vector<128x1xf32> to vector<128x10000xf32>
    %add3A_37 = arith.addf %add3A_32, %add3A_36 : vector<128x10000xf32>
    %max3A = arith.constant 0.000000e+00 : f32
    %max3A_38 = vector.broadcast %max3A : f32 to vector<128x10000xf32>
    %max3A_39 = arith.maximumf %add3A_37, %max3A_38 : vector<128x10000xf32>
    %swap3A = arith.constant 0 : index
    %swap3A_40 = arith.constant 0 : index
    %swap3A_41 = vector.load %arg9[%swap3A, %swap3A_40] : memref<128x10000xf32, #tpu.memory_space<vmem>>, vector<128x10000xf32>
    tpu.vector_store %arg9[%swap3A, %swap3A_40], %max3A_39 {strides = array<i32>} : memref<128x10000xf32, #tpu.memory_space<vmem>>, vector<128x10000xf32>,
    %reduce_sum3A = arith.constant dense<0.000000e+00> : vector<128xf32>
    %reduce_sum3A_42 = vector.multi_reduction <add>, %max3A_39, %reduce_sum3A [1] : vector<128x10000xf32> to vector<128xf32>
    %broadcast_in_dim3A_43 = vector.shape_cast %reduce_sum3A_42 : vector<128xf32> to vector<128x1xf32>
    %div3A_44 = arith.constant 1.000000e+04 : f32
    %div3A_45 = vector.broadcast %div3A_44 : f32 to vector<128x1xf32>
    %div3A_46 = arith.divf %broadcast_in_dim3A_43, %div3A_45 : vector<128x1xf32>
    %sub3A_47 = vector.broadcast %div3A_46 : vector<128x1xf32> to vector<128x10000xf32>
    %sub3A_48 = arith.subf %max3A_39, %sub3A_47 : vector<128x10000xf32>
    %mul3A_49 = arith.mulf %sub3A_48, %sub3A_48 : vector<128x10000xf32>
    %reduce_sum3A_50 = arith.constant dense<0.000000e+00> : vector<128xf32>
    %reduce_sum3A_51 = vector.multi_reduction <add>, %mul3A_49, %reduce_sum3A_50 [1] : vector<128x10000xf32> to vector<128xf32>
    %broadcast_in_dim3A_52 = vector.shape_cast %reduce_sum3A_51 : vector<128xf32> to vector<128x1xf32>
    %div3A_53 = arith.constant 1.000000e+04 : f32
    %div3A_54 = vector.broadcast %div3A_53 : f32 to vector<128x1xf32>
    %div3A_55 = arith.divf %broadcast_in_dim3A_52, %div3A_54 : vector<128x1xf32>
    %transpose3A = tpu.transpose %div3A_46, [1, 0] : vector<128x1xf32> -> vector<1x128xf32>
    %transpose3A_56 = tpu.transpose %div3A_55, [1, 0] : vector<128x1xf32> -> vector<1x128xf32>
    %broadcast_in_dim3A_57 = arith.constant 0.000000e+00 : f32
    %broadcast_in_dim3A_58 = vector.broadcast %broadcast_in_dim3A_57 : f32 to vector<6x128xf32>
    %concatenate3A = tpu.concatenate %transpose3A, %transpose3A_56, %broadcast_in_dim3A_58 in 0 : vector<1x128xf32>, vector<1x128xf32>, vector<6x128xf32> -> vector<8x128xf32>
    %swap3A_59 = arith.constant 0 : index
    %swap3A_60 = arith.constant 0 : index
    %swap3A_61 = vector.load %arg10[%swap3A_59, %swap3A_60] : memref<8x128xf32, #tpu.memory_space<vmem>>, vector<8x128xf32>
    tpu.vector_store %arg10[%swap3A_59, %swap3A_60], %concatenate3A {strides = array<i32>} : memref<8x128xf32, #tpu.memory_space<vmem>>, vector<8x128xf32>,
    return
  }
}

module attributes {stable_mosaic.version = 14 : i64} {
  func.func @_k4_body(%arg0: memref<128x10000xf32, #tpu.memory_space<vmem>>, %arg1: memref<16x10000xf32, #tpu.memory_space<vmem>>, %arg2: memref<16x128xf32, #tpu.memory_space<vmem>>) attributes {dimension_semantics = [], scalar_prefetch = 0 : i64, scratch_operands = 0 : i64, tpu.core_type = #tpu.core_type<tc>} {
    %get3A = arith.constant 0 : index
    %get3A_0 = arith.constant 0 : index
    %get3A_1 = vector.load %arg0[%get3A, %get3A_0] : memref<128x10000xf32, #tpu.memory_space<vmem>>, vector<128x10000xf32>
    %get3A_2 = arith.constant 0 : index
    %get3A_3 = arith.constant 0 : index
    %get3A_4 = vector.load %arg1[%get3A_2, %get3A_3] : memref<16x10000xf32, #tpu.memory_space<vmem>>, vector<1x10000xf32>
    %gt3A = arith.constant 5.000000e-01 : f32
    %gt3A_5 = vector.broadcast %gt3A : f32 to vector<1x10000xf32>
    %gt3A_6 = arith.cmpf ogt, %get3A_4, %gt3A_5 : vector<1x10000xf32>
    %jit3A = arith.constant -1.000000e+00 : f32
    %broadcast_in_dim3A = vector.shape_cast %gt3A_6 : vector<1x10000xi1> to vector<1x10000xi1>
    %broadcast_in_dim3A_7 = vector.broadcast %broadcast_in_dim3A : vector<1x10000xi1> to vector<128x10000xi1>
    %broadcast_in_dim3A_8 = vector.broadcast %jit3A : f32 to vector<128x10000xf32>
    %select_n3A = arith.select %broadcast_in_dim3A_7, %get3A_1, %broadcast_in_dim3A_8 : vector<128x10000xi1>, vector<128x10000xf32>
    %reduce_max3A = arith.constant dense<0xFF800000> : vector<128xf32>
    %reduce_max3A_9 = vector.multi_reduction <maximumf>, %select_n3A, %reduce_max3A [1] : vector<128x10000xf32> to vector<128xf32>
    %broadcast_in_dim3A_10 = vector.shape_cast %reduce_max3A_9 : vector<128xf32> to vector<1x128xf32>
    %get3A_11 = arith.constant 1 : index
    %get3A_12 = arith.constant 0 : index
    %get3A_13 = vector.load %arg1[%get3A_11, %get3A_12] : memref<16x10000xf32, #tpu.memory_space<vmem>>, vector<1x10000xf32>
    %gt3A_14 = arith.constant 5.000000e-01 : f32
    %gt3A_15 = vector.broadcast %gt3A_14 : f32 to vector<1x10000xf32>
    %gt3A_16 = arith.cmpf ogt, %get3A_13, %gt3A_15 : vector<1x10000xf32>
    %jit3A_17 = arith.constant -1.000000e+00 : f32
    %broadcast_in_dim3A_18 = vector.shape_cast %gt3A_16 : vector<1x10000xi1> to vector<1x10000xi1>
    %broadcast_in_dim3A_19 = vector.broadcast %broadcast_in_dim3A_18 : vector<1x10000xi1> to vector<128x10000xi1>
    %broadcast_in_dim3A_20 = vector.broadcast %jit3A_17 : f32 to vector<128x10000xf32>
    %select_n3A_21 = arith.select %broadcast_in_dim3A_19, %get3A_1, %broadcast_in_dim3A_20 : vector<128x10000xi1>, vector<128x10000xf32>
    %reduce_max3A_22 = arith.constant dense<0xFF800000> : vector<128xf32>
    %reduce_max3A_23 = vector.multi_reduction <maximumf>, %select_n3A_21, %reduce_max3A_22 [1] : vector<128x10000xf32> to vector<128xf32>
    %broadcast_in_dim3A_24 = vector.shape_cast %reduce_max3A_23 : vector<128xf32> to vector<1x128xf32>
    %get3A_25 = arith.constant 2 : index
    %get3A_26 = arith.constant 0 : index
    %get3A_27 = vector.load %arg1[%get3A_25, %get3A_26] : memref<16x10000xf32, #tpu.memory_space<vmem>>, vector<1x10000xf32>
    %gt3A_28 = arith.constant 5.000000e-01 : f32
    %gt3A_29 = vector.broadcast %gt3A_28 : f32 to vector<1x10000xf32>
    %gt3A_30 = arith.cmpf ogt, %get3A_27, %gt3A_29 : vector<1x10000xf32>
    %jit3A_31 = arith.constant -1.000000e+00 : f32
    %broadcast_in_dim3A_32 = vector.shape_cast %gt3A_30 : vector<1x10000xi1> to vector<1x10000xi1>
    %broadcast_in_dim3A_33 = vector.broadcast %broadcast_in_dim3A_32 : vector<1x10000xi1> to vector<128x10000xi1>
    %broadcast_in_dim3A_34 = vector.broadcast %jit3A_31 : f32 to vector<128x10000xf32>
    %select_n3A_35 = arith.select %broadcast_in_dim3A_33, %get3A_1, %broadcast_in_dim3A_34 : vector<128x10000xi1>, vector<128x10000xf32>
    %reduce_max3A_36 = arith.constant dense<0xFF800000> : vector<128xf32>
    %reduce_max3A_37 = vector.multi_reduction <maximumf>, %select_n3A_35, %reduce_max3A_36 [1] : vector<128x10000xf32> to vector<128xf32>
    %broadcast_in_dim3A_38 = vector.shape_cast %reduce_max3A_37 : vector<128xf32> to vector<1x128xf32>
    %get3A_39 = arith.constant 3 : index
    %get3A_40 = arith.constant 0 : index
    %get3A_41 = vector.load %arg1[%get3A_39, %get3A_40] : memref<16x10000xf32, #tpu.memory_space<vmem>>, vector<1x10000xf32>
    %gt3A_42 = arith.constant 5.000000e-01 : f32
    %gt3A_43 = vector.broadcast %gt3A_42 : f32 to vector<1x10000xf32>
    %gt3A_44 = arith.cmpf ogt, %get3A_41, %gt3A_43 : vector<1x10000xf32>
    %jit3A_45 = arith.constant -1.000000e+00 : f32
    %broadcast_in_dim3A_46 = vector.shape_cast %gt3A_44 : vector<1x10000xi1> to vector<1x10000xi1>
    %broadcast_in_dim3A_47 = vector.broadcast %broadcast_in_dim3A_46 : vector<1x10000xi1> to vector<128x10000xi1>
    %broadcast_in_dim3A_48 = vector.broadcast %jit3A_45 : f32 to vector<128x10000xf32>
    %select_n3A_49 = arith.select %broadcast_in_dim3A_47, %get3A_1, %broadcast_in_dim3A_48 : vector<128x10000xi1>, vector<128x10000xf32>
    %reduce_max3A_50 = arith.constant dense<0xFF800000> : vector<128xf32>
    %reduce_max3A_51 = vector.multi_reduction <maximumf>, %select_n3A_49, %reduce_max3A_50 [1] : vector<128x10000xf32> to vector<128xf32>
    %broadcast_in_dim3A_52 = vector.shape_cast %reduce_max3A_51 : vector<128xf32> to vector<1x128xf32>
    %get3A_53 = arith.constant 4 : index
    %get3A_54 = arith.constant 0 : index
    %get3A_55 = vector.load %arg1[%get3A_53, %get3A_54] : memref<16x10000xf32, #tpu.memory_space<vmem>>, vector<1x10000xf32>
    %gt3A_56 = arith.constant 5.000000e-01 : f32
    %gt3A_57 = vector.broadcast %gt3A_56 : f32 to vector<1x10000xf32>
    %gt3A_58 = arith.cmpf ogt, %get3A_55, %gt3A_57 : vector<1x10000xf32>
    %jit3A_59 = arith.constant -1.000000e+00 : f32
    %broadcast_in_dim3A_60 = vector.shape_cast %gt3A_58 : vector<1x10000xi1> to vector<1x10000xi1>
    %broadcast_in_dim3A_61 = vector.broadcast %broadcast_in_dim3A_60 : vector<1x10000xi1> to vector<128x10000xi1>
    %broadcast_in_dim3A_62 = vector.broadcast %jit3A_59 : f32 to vector<128x10000xf32>
    %select_n3A_63 = arith.select %broadcast_in_dim3A_61, %get3A_1, %broadcast_in_dim3A_62 : vector<128x10000xi1>, vector<128x10000xf32>
    %reduce_max3A_64 = arith.constant dense<0xFF800000> : vector<128xf32>
    %reduce_max3A_65 = vector.multi_reduction <maximumf>, %select_n3A_63, %reduce_max3A_64 [1] : vector<128x10000xf32> to vector<128xf32>
    %broadcast_in_dim3A_66 = vector.shape_cast %reduce_max3A_65 : vector<128xf32> to vector<1x128xf32>
    %get3A_67 = arith.constant 5 : index
    %get3A_68 = arith.constant 0 : index
    %get3A_69 = vector.load %arg1[%get3A_67, %get3A_68] : memref<16x10000xf32, #tpu.memory_space<vmem>>, vector<1x10000xf32>
    %gt3A_70 = arith.constant 5.000000e-01 : f32
    %gt3A_71 = vector.broadcast %gt3A_70 : f32 to vector<1x10000xf32>
    %gt3A_72 = arith.cmpf ogt, %get3A_69, %gt3A_71 : vector<1x10000xf32>
    %jit3A_73 = arith.constant -1.000000e+00 : f32
    %broadcast_in_dim3A_74 = vector.shape_cast %gt3A_72 : vector<1x10000xi1> to vector<1x10000xi1>
    %broadcast_in_dim3A_75 = vector.broadcast %broadcast_in_dim3A_74 : vector<1x10000xi1> to vector<128x10000xi1>
    %broadcast_in_dim3A_76 = vector.broadcast %jit3A_73 : f32 to vector<128x10000xf32>
    %select_n3A_77 = arith.select %broadcast_in_dim3A_75, %get3A_1, %broadcast_in_dim3A_76 : vector<128x10000xi1>, vector<128x10000xf32>
    %reduce_max3A_78 = arith.constant dense<0xFF800000> : vector<128xf32>
    %reduce_max3A_79 = vector.multi_reduction <maximumf>, %select_n3A_77, %reduce_max3A_78 [1] : vector<128x10000xf32> to vector<128xf32>
    %broadcast_in_dim3A_80 = vector.shape_cast %reduce_max3A_79 : vector<128xf32> to vector<1x128xf32>
    %get3A_81 = arith.constant 6 : index
    %get3A_82 = arith.constant 0 : index
    %get3A_83 = vector.load %arg1[%get3A_81, %get3A_82] : memref<16x10000xf32, #tpu.memory_space<vmem>>, vector<1x10000xf32>
    %gt3A_84 = arith.constant 5.000000e-01 : f32
    %gt3A_85 = vector.broadcast %gt3A_84 : f32 to vector<1x10000xf32>
    %gt3A_86 = arith.cmpf ogt, %get3A_83, %gt3A_85 : vector<1x10000xf32>
    %jit3A_87 = arith.constant -1.000000e+00 : f32
    %broadcast_in_dim3A_88 = vector.shape_cast %gt3A_86 : vector<1x10000xi1> to vector<1x10000xi1>
    %broadcast_in_dim3A_89 = vector.broadcast %broadcast_in_dim3A_88 : vector<1x10000xi1> to vector<128x10000xi1>
    %broadcast_in_dim3A_90 = vector.broadcast %jit3A_87 : f32 to vector<128x10000xf32>
    %select_n3A_91 = arith.select %broadcast_in_dim3A_89, %get3A_1, %broadcast_in_dim3A_90 : vector<128x10000xi1>, vector<128x10000xf32>
    %reduce_max3A_92 = arith.constant dense<0xFF800000> : vector<128xf32>
    %reduce_max3A_93 = vector.multi_reduction <maximumf>, %select_n3A_91, %reduce_max3A_92 [1] : vector<128x10000xf32> to vector<128xf32>
    %broadcast_in_dim3A_94 = vector.shape_cast %reduce_max3A_93 : vector<128xf32> to vector<1x128xf32>
    %get3A_95 = arith.constant 7 : index
    %get3A_96 = arith.constant 0 : index
    %get3A_97 = vector.load %arg1[%get3A_95, %get3A_96] : memref<16x10000xf32, #tpu.memory_space<vmem>>, vector<1x10000xf32>
    %gt3A_98 = arith.constant 5.000000e-01 : f32
    %gt3A_99 = vector.broadcast %gt3A_98 : f32 to vector<1x10000xf32>
    %gt3A_100 = arith.cmpf ogt, %get3A_97, %gt3A_99 : vector<1x10000xf32>
    %jit3A_101 = arith.constant -1.000000e+00 : f32
    %broadcast_in_dim3A_102 = vector.shape_cast %gt3A_100 : vector<1x10000xi1> to vector<1x10000xi1>
    %broadcast_in_dim3A_103 = vector.broadcast %broadcast_in_dim3A_102 : vector<1x10000xi1> to vector<128x10000xi1>
    %broadcast_in_dim3A_104 = vector.broadcast %jit3A_101 : f32 to vector<128x10000xf32>
    %select_n3A_105 = arith.select %broadcast_in_dim3A_103, %get3A_1, %broadcast_in_dim3A_104 : vector<128x10000xi1>, vector<128x10000xf32>
    %reduce_max3A_106 = arith.constant dense<0xFF800000> : vector<128xf32>
    %reduce_max3A_107 = vector.multi_reduction <maximumf>, %select_n3A_105, %reduce_max3A_106 [1] : vector<128x10000xf32> to vector<128xf32>
    %broadcast_in_dim3A_108 = vector.shape_cast %reduce_max3A_107 : vector<128xf32> to vector<1x128xf32>
    %get3A_109 = arith.constant 8 : index
    %get3A_110 = arith.constant 0 : index
    %get3A_111 = vector.load %arg1[%get3A_109, %get3A_110] : memref<16x10000xf32, #tpu.memory_space<vmem>>, vector<1x10000xf32>
    %gt3A_112 = arith.constant 5.000000e-01 : f32
    %gt3A_113 = vector.broadcast %gt3A_112 : f32 to vector<1x10000xf32>
    %gt3A_114 = arith.cmpf ogt, %get3A_111, %gt3A_113 : vector<1x10000xf32>
    %jit3A_115 = arith.constant -1.000000e+00 : f32
    %broadcast_in_dim3A_116 = vector.shape_cast %gt3A_114 : vector<1x10000xi1> to vector<1x10000xi1>
    %broadcast_in_dim3A_117 = vector.broadcast %broadcast_in_dim3A_116 : vector<1x10000xi1> to vector<128x10000xi1>
    %broadcast_in_dim3A_118 = vector.broadcast %jit3A_115 : f32 to vector<128x10000xf32>
    %select_n3A_119 = arith.select %broadcast_in_dim3A_117, %get3A_1, %broadcast_in_dim3A_118 : vector<128x10000xi1>, vector<128x10000xf32>
    %reduce_max3A_120 = arith.constant dense<0xFF800000> : vector<128xf32>
    %reduce_max3A_121 = vector.multi_reduction <maximumf>, %select_n3A_119, %reduce_max3A_120 [1] : vector<128x10000xf32> to vector<128xf32>
    %broadcast_in_dim3A_122 = vector.shape_cast %reduce_max3A_121 : vector<128xf32> to vector<1x128xf32>
    %get3A_123 = arith.constant 9 : index
    %get3A_124 = arith.constant 0 : index
    %get3A_125 = vector.load %arg1[%get3A_123, %get3A_124] : memref<16x10000xf32, #tpu.memory_space<vmem>>, vector<1x10000xf32>
    %gt3A_126 = arith.constant 5.000000e-01 : f32
    %gt3A_127 = vector.broadcast %gt3A_126 : f32 to vector<1x10000xf32>
    %gt3A_128 = arith.cmpf ogt, %get3A_125, %gt3A_127 : vector<1x10000xf32>
    %jit3A_129 = arith.constant -1.000000e+00 : f32
    %broadcast_in_dim3A_130 = vector.shape_cast %gt3A_128 : vector<1x10000xi1> to vector<1x10000xi1>
    %broadcast_in_dim3A_131 = vector.broadcast %broadcast_in_dim3A_130 : vector<1x10000xi1> to vector<128x10000xi1>
    %broadcast_in_dim3A_132 = vector.broadcast %jit3A_129 : f32 to vector<128x10000xf32>
    %select_n3A_133 = arith.select %broadcast_in_dim3A_131, %get3A_1, %broadcast_in_dim3A_132 : vector<128x10000xi1>, vector<128x10000xf32>
    %reduce_max3A_134 = arith.constant dense<0xFF800000> : vector<128xf32>
    %reduce_max3A_135 = vector.multi_reduction <maximumf>, %select_n3A_133, %reduce_max3A_134 [1] : vector<128x10000xf32> to vector<128xf32>
    %broadcast_in_dim3A_136 = vector.shape_cast %reduce_max3A_135 : vector<128xf32> to vector<1x128xf32>
    %get3A_137 = arith.constant 10 : index
    %get3A_138 = arith.constant 0 : index
    %get3A_139 = vector.load %arg1[%get3A_137, %get3A_138] : memref<16x10000xf32, #tpu.memory_space<vmem>>, vector<1x10000xf32>
    %gt3A_140 = arith.constant 5.000000e-01 : f32
    %gt3A_141 = vector.broadcast %gt3A_140 : f32 to vector<1x10000xf32>
    %gt3A_142 = arith.cmpf ogt, %get3A_139, %gt3A_141 : vector<1x10000xf32>
    %jit3A_143 = arith.constant -1.000000e+00 : f32
    %broadcast_in_dim3A_144 = vector.shape_cast %gt3A_142 : vector<1x10000xi1> to vector<1x10000xi1>
    %broadcast_in_dim3A_145 = vector.broadcast %broadcast_in_dim3A_144 : vector<1x10000xi1> to vector<128x10000xi1>
    %broadcast_in_dim3A_146 = vector.broadcast %jit3A_143 : f32 to vector<128x10000xf32>
    %select_n3A_147 = arith.select %broadcast_in_dim3A_145, %get3A_1, %broadcast_in_dim3A_146 : vector<128x10000xi1>, vector<128x10000xf32>
    %reduce_max3A_148 = arith.constant dense<0xFF800000> : vector<128xf32>
    %reduce_max3A_149 = vector.multi_reduction <maximumf>, %select_n3A_147, %reduce_max3A_148 [1] : vector<128x10000xf32> to vector<128xf32>
    %broadcast_in_dim3A_150 = vector.shape_cast %reduce_max3A_149 : vector<128xf32> to vector<1x128xf32>
    %get3A_151 = arith.constant 11 : index
    %get3A_152 = arith.constant 0 : index
    %get3A_153 = vector.load %arg1[%get3A_151, %get3A_152] : memref<16x10000xf32, #tpu.memory_space<vmem>>, vector<1x10000xf32>
    %gt3A_154 = arith.constant 5.000000e-01 : f32
    %gt3A_155 = vector.broadcast %gt3A_154 : f32 to vector<1x10000xf32>
    %gt3A_156 = arith.cmpf ogt, %get3A_153, %gt3A_155 : vector<1x10000xf32>
    %jit3A_157 = arith.constant -1.000000e+00 : f32
    %broadcast_in_dim3A_158 = vector.shape_cast %gt3A_156 : vector<1x10000xi1> to vector<1x10000xi1>
    %broadcast_in_dim3A_159 = vector.broadcast %broadcast_in_dim3A_158 : vector<1x10000xi1> to vector<128x10000xi1>
    %broadcast_in_dim3A_160 = vector.broadcast %jit3A_157 : f32 to vector<128x10000xf32>
    %select_n3A_161 = arith.select %broadcast_in_dim3A_159, %get3A_1, %broadcast_in_dim3A_160 : vector<128x10000xi1>, vector<128x10000xf32>
    %reduce_max3A_162 = arith.constant dense<0xFF800000> : vector<128xf32>
    %reduce_max3A_163 = vector.multi_reduction <maximumf>, %select_n3A_161, %reduce_max3A_162 [1] : vector<128x10000xf32> to vector<128xf32>
    %broadcast_in_dim3A_164 = vector.shape_cast %reduce_max3A_163 : vector<128xf32> to vector<1x128xf32>
    %get3A_165 = arith.constant 12 : index
    %get3A_166 = arith.constant 0 : index
    %get3A_167 = vector.load %arg1[%get3A_165, %get3A_166] : memref<16x10000xf32, #tpu.memory_space<vmem>>, vector<1x10000xf32>
    %gt3A_168 = arith.constant 5.000000e-01 : f32
    %gt3A_169 = vector.broadcast %gt3A_168 : f32 to vector<1x10000xf32>
    %gt3A_170 = arith.cmpf ogt, %get3A_167, %gt3A_169 : vector<1x10000xf32>
    %jit3A_171 = arith.constant -1.000000e+00 : f32
    %broadcast_in_dim3A_172 = vector.shape_cast %gt3A_170 : vector<1x10000xi1> to vector<1x10000xi1>
    %broadcast_in_dim3A_173 = vector.broadcast %broadcast_in_dim3A_172 : vector<1x10000xi1> to vector<128x10000xi1>
    %broadcast_in_dim3A_174 = vector.broadcast %jit3A_171 : f32 to vector<128x10000xf32>
    %select_n3A_175 = arith.select %broadcast_in_dim3A_173, %get3A_1, %broadcast_in_dim3A_174 : vector<128x10000xi1>, vector<128x10000xf32>
    %reduce_max3A_176 = arith.constant dense<0xFF800000> : vector<128xf32>
    %reduce_max3A_177 = vector.multi_reduction <maximumf>, %select_n3A_175, %reduce_max3A_176 [1] : vector<128x10000xf32> to vector<128xf32>
    %broadcast_in_dim3A_178 = vector.shape_cast %reduce_max3A_177 : vector<128xf32> to vector<1x128xf32>
    %get3A_179 = arith.constant 13 : index
    %get3A_180 = arith.constant 0 : index
    %get3A_181 = vector.load %arg1[%get3A_179, %get3A_180] : memref<16x10000xf32, #tpu.memory_space<vmem>>, vector<1x10000xf32>
    %gt3A_182 = arith.constant 5.000000e-01 : f32
    %gt3A_183 = vector.broadcast %gt3A_182 : f32 to vector<1x10000xf32>
    %gt3A_184 = arith.cmpf ogt, %get3A_181, %gt3A_183 : vector<1x10000xf32>
    %jit3A_185 = arith.constant -1.000000e+00 : f32
    %broadcast_in_dim3A_186 = vector.shape_cast %gt3A_184 : vector<1x10000xi1> to vector<1x10000xi1>
    %broadcast_in_dim3A_187 = vector.broadcast %broadcast_in_dim3A_186 : vector<1x10000xi1> to vector<128x10000xi1>
    %broadcast_in_dim3A_188 = vector.broadcast %jit3A_185 : f32 to vector<128x10000xf32>
    %select_n3A_189 = arith.select %broadcast_in_dim3A_187, %get3A_1, %broadcast_in_dim3A_188 : vector<128x10000xi1>, vector<128x10000xf32>
    %reduce_max3A_190 = arith.constant dense<0xFF800000> : vector<128xf32>
    %reduce_max3A_191 = vector.multi_reduction <maximumf>, %select_n3A_189, %reduce_max3A_190 [1] : vector<128x10000xf32> to vector<128xf32>
    %broadcast_in_dim3A_192 = vector.shape_cast %reduce_max3A_191 : vector<128xf32> to vector<1x128xf32>
    %get3A_193 = arith.constant 14 : index
    %get3A_194 = arith.constant 0 : index
    %get3A_195 = vector.load %arg1[%get3A_193, %get3A_194] : memref<16x10000xf32, #tpu.memory_space<vmem>>, vector<1x10000xf32>
    %gt3A_196 = arith.constant 5.000000e-01 : f32
    %gt3A_197 = vector.broadcast %gt3A_196 : f32 to vector<1x10000xf32>
    %gt3A_198 = arith.cmpf ogt, %get3A_195, %gt3A_197 : vector<1x10000xf32>
    %jit3A_199 = arith.constant -1.000000e+00 : f32
    %broadcast_in_dim3A_200 = vector.shape_cast %gt3A_198 : vector<1x10000xi1> to vector<1x10000xi1>
    %broadcast_in_dim3A_201 = vector.broadcast %broadcast_in_dim3A_200 : vector<1x10000xi1> to vector<128x10000xi1>
    %broadcast_in_dim3A_202 = vector.broadcast %jit3A_199 : f32 to vector<128x10000xf32>
    %select_n3A_203 = arith.select %broadcast_in_dim3A_201, %get3A_1, %broadcast_in_dim3A_202 : vector<128x10000xi1>, vector<128x10000xf32>
    %reduce_max3A_204 = arith.constant dense<0xFF800000> : vector<128xf32>
    %reduce_max3A_205 = vector.multi_reduction <maximumf>, %select_n3A_203, %reduce_max3A_204 [1] : vector<128x10000xf32> to vector<128xf32>
    %broadcast_in_dim3A_206 = vector.shape_cast %reduce_max3A_205 : vector<128xf32> to vector<1x128xf32>
    %get3A_207 = arith.constant 15 : index
    %get3A_208 = arith.constant 0 : index
    %get3A_209 = vector.load %arg1[%get3A_207, %get3A_208] : memref<16x10000xf32, #tpu.memory_space<vmem>>, vector<1x10000xf32>
    %gt3A_210 = arith.constant 5.000000e-01 : f32
    %gt3A_211 = vector.broadcast %gt3A_210 : f32 to vector<1x10000xf32>
    %gt3A_212 = arith.cmpf ogt, %get3A_209, %gt3A_211 : vector<1x10000xf32>
    %jit3A_213 = arith.constant -1.000000e+00 : f32
    %broadcast_in_dim3A_214 = vector.shape_cast %gt3A_212 : vector<1x10000xi1> to vector<1x10000xi1>
    %broadcast_in_dim3A_215 = vector.broadcast %broadcast_in_dim3A_214 : vector<1x10000xi1> to vector<128x10000xi1>
    %broadcast_in_dim3A_216 = vector.broadcast %jit3A_213 : f32 to vector<128x10000xf32>
    %select_n3A_217 = arith.select %broadcast_in_dim3A_215, %get3A_1, %broadcast_in_dim3A_216 : vector<128x10000xi1>, vector<128x10000xf32>
    %reduce_max3A_218 = arith.constant dense<0xFF800000> : vector<128xf32>
    %reduce_max3A_219 = vector.multi_reduction <maximumf>, %select_n3A_217, %reduce_max3A_218 [1] : vector<128x10000xf32> to vector<128xf32>
    %broadcast_in_dim3A_220 = vector.shape_cast %reduce_max3A_219 : vector<128xf32> to vector<1x128xf32>
    %concatenate3A = tpu.concatenate %broadcast_in_dim3A_10, %broadcast_in_dim3A_24, %broadcast_in_dim3A_38, %broadcast_in_dim3A_52, %broadcast_in_dim3A_66, %broadcast_in_dim3A_80, %broadcast_in_dim3A_94, %broadcast_in_dim3A_108, %broadcast_in_dim3A_122, %broadcast_in_dim3A_136, %broadcast_in_dim3A_150, %broadcast_in_dim3A_164, %broadcast_in_dim3A_178, %broadcast_in_dim3A_192, %broadcast_in_dim3A_206, %broadcast_in_dim3A_220 in 0 : vector<1x128xf32>, vector<1x128xf32>, vector<1x128xf32>, vector<1x128xf32>, vector<1x128xf32>, vector<1x128xf32>, vector<1x128xf32>, vector<1x128xf32>, vector<1x128xf32>, vector<1x128xf32>, vector<1x128xf32>, vector<1x128xf32>, vector<1x128xf32>, vector<1x128xf32>, vector<1x128xf32>, vector<1x128xf32> -> vector<16x128xf32>
    %swap3A = arith.constant 0 : index
    %swap3A_221 = arith.constant 0 : index
    %swap3A_222 = vector.load %arg2[%swap3A, %swap3A_221] : memref<16x128xf32, #tpu.memory_space<vmem>>, vector<16x128xf32>
    tpu.vector_store %arg2[%swap3A, %swap3A_221], %concatenate3A {strides = array<i32>} : memref<16x128xf32, #tpu.memory_space<vmem>>, vector<16x128xf32>,
    return
  }
}

module attributes {stable_mosaic.version = 14 : i64} {
  func.func @_k5_body(%arg0: memref<16x128xf32, #tpu.memory_space<vmem>>, %arg1: memref<8x128xf32, #tpu.memory_space<vmem>>, %arg2: memref<8x128xf32, #tpu.memory_space<vmem>>, %arg3: memref<8x128xf32, #tpu.memory_space<vmem>>, %arg4: memref<8x128xf32, #tpu.memory_space<vmem>>, %arg5: memref<128x64xf32, #tpu.memory_space<vmem>>, %arg6: memref<8x64xf32, #tpu.memory_space<vmem>>, %arg7: memref<8x64xf32, #tpu.memory_space<vmem>>, %arg8: memref<8x64xf32, #tpu.memory_space<vmem>>, %arg9: memref<64x10xf32, #tpu.memory_space<vmem>>, %arg10: memref<8x16xf32, #tpu.memory_space<vmem>>, %arg11: memref<16x10xf32, #tpu.memory_space<vmem>>) attributes {dimension_semantics = [], scalar_prefetch = 0 : i64, scratch_operands = 0 : i64, tpu.core_type = #tpu.core_type<tc>} {
    %get3A = arith.constant 0 : index
    %get3A_0 = arith.constant 0 : index
    %get3A_1 = vector.load %arg0[%get3A, %get3A_0] : memref<16x128xf32, #tpu.memory_space<vmem>>, vector<16x128xf32>
    %lt3A = arith.constant 0.000000e+00 : f32
    %lt3A_2 = vector.broadcast %lt3A : f32 to vector<16x128xf32>
    %lt3A_3 = arith.cmpf olt, %get3A_1, %lt3A_2 : vector<16x128xf32>
    %get3A_4 = arith.constant 0 : index
    %get3A_5 = arith.constant 0 : index
    %get3A_6 = vector.load %arg3[%get3A_4, %get3A_5] : memref<8x128xf32, #tpu.memory_space<vmem>>, vector<1x128xf32>
    %get3A_7 = arith.constant 0 : index
    %get3A_8 = arith.constant 0 : index
    %get3A_9 = vector.load %arg1[%get3A_7, %get3A_8] : memref<8x128xf32, #tpu.memory_space<vmem>>, vector<1x128xf32>
    %sub3A = vector.broadcast %get3A_9 : vector<1x128xf32> to vector<16x128xf32>
    %sub3A_10 = arith.subf %get3A_1, %sub3A : vector<16x128xf32>
    %mul3A = vector.broadcast %get3A_6 : vector<1x128xf32> to vector<16x128xf32>
    %mul3A_11 = arith.mulf %mul3A, %sub3A_10 : vector<16x128xf32>
    %get3A_12 = arith.constant 0 : index
    %get3A_13 = arith.constant 0 : index
    %get3A_14 = vector.load %arg2[%get3A_12, %get3A_13] : memref<8x128xf32, #tpu.memory_space<vmem>>, vector<1x128xf32>
    %div3A = vector.broadcast %get3A_14 : vector<1x128xf32> to vector<16x128xf32>
    %div3A_15 = arith.divf %mul3A_11, %div3A : vector<16x128xf32>
    %get3A_16 = arith.constant 0 : index
    %get3A_17 = arith.constant 0 : index
    %get3A_18 = vector.load %arg4[%get3A_16, %get3A_17] : memref<8x128xf32, #tpu.memory_space<vmem>>, vector<1x128xf32>
    %add3A = vector.broadcast %get3A_18 : vector<1x128xf32> to vector<16x128xf32>
    %add3A_19 = arith.addf %div3A_15, %add3A : vector<16x128xf32>
    %jit3A = arith.constant 0.000000e+00 : f32
    %broadcast_in_dim3A = vector.broadcast %jit3A : f32 to vector<16x128xf32>
    %select_n3A = arith.select %lt3A_3, %broadcast_in_dim3A, %add3A_19 : vector<16x128xi1>, vector<16x128xf32>
    %get3A_20 = arith.constant 0 : index
    %get3A_21 = arith.constant 0 : index
    %get3A_22 = vector.load %arg5[%get3A_20, %get3A_21] : memref<128x64xf32, #tpu.memory_space<vmem>>, vector<128x64xf32>
    %dot_general3A = arith.constant dense<0.000000e+00> : vector<16x64xf32>
    %dot_general3A_23 = tpu.matmul %select_n3A, %get3A_22, %dot_general3A {dimension_numbers = #tpu.dot_dimension_numbers<[1], [0], [0], [1], [0, 0, 1, 1], [], []>, transpose_lhs_hint = false} : vector<16x128xf32>, vector<128x64xf32>, vector<16x64xf32> -> vector<16x64xf32>
    %get3A_24 = arith.constant 0 : index
    %get3A_25 = arith.constant 0 : index
    %get3A_26 = vector.load %arg6[%get3A_24, %get3A_25] : memref<8x64xf32, #tpu.memory_space<vmem>>, vector<1x64xf32>
    %add3A_27 = vector.broadcast %get3A_26 : vector<1x64xf32> to vector<16x64xf32>
    %add3A_28 = arith.addf %dot_general3A_23, %add3A_27 : vector<16x64xf32>
    %max3A = arith.constant 0.000000e+00 : f32
    %max3A_29 = vector.broadcast %max3A : f32 to vector<16x64xf32>
    %max3A_30 = arith.maximumf %add3A_28, %max3A_29 : vector<16x64xf32>
    %reduce_sum3A = arith.constant dense<0.000000e+00> : vector<64xf32>
    %reduce_sum3A_31 = vector.multi_reduction <add>, %max3A_30, %reduce_sum3A [0] : vector<16x64xf32> to vector<64xf32>
    %broadcast_in_dim3A_32 = vector.shape_cast %reduce_sum3A_31 : vector<64xf32> to vector<1x64xf32>
    %div3A_33 = arith.constant 1.600000e+01 : f32
    %div3A_34 = vector.broadcast %div3A_33 : f32 to vector<1x64xf32>
    %div3A_35 = arith.divf %broadcast_in_dim3A_32, %div3A_34 : vector<1x64xf32>
    %sub3A_36 = vector.broadcast %div3A_35 : vector<1x64xf32> to vector<16x64xf32>
    %sub3A_37 = arith.subf %max3A_30, %sub3A_36 : vector<16x64xf32>
    %mul3A_38 = arith.mulf %sub3A_37, %sub3A_37 : vector<16x64xf32>
    %reduce_sum3A_39 = arith.constant dense<0.000000e+00> : vector<64xf32>
    %reduce_sum3A_40 = vector.multi_reduction <add>, %mul3A_38, %reduce_sum3A_39 [0] : vector<16x64xf32> to vector<64xf32>
    %broadcast_in_dim3A_41 = vector.shape_cast %reduce_sum3A_40 : vector<64xf32> to vector<1x64xf32>
    %div3A_42 = arith.constant 1.600000e+01 : f32
    %div3A_43 = vector.broadcast %div3A_42 : f32 to vector<1x64xf32>
    %div3A_44 = arith.divf %broadcast_in_dim3A_41, %div3A_43 : vector<1x64xf32>
    %get3A_45 = arith.constant 0 : index
    %get3A_46 = arith.constant 0 : index
    %get3A_47 = vector.load %arg7[%get3A_45, %get3A_46] : memref<8x64xf32, #tpu.memory_space<vmem>>, vector<1x64xf32>
    %mul3A_48 = vector.broadcast %get3A_47 : vector<1x64xf32> to vector<16x64xf32>
    %mul3A_49 = arith.mulf %mul3A_48, %sub3A_37 : vector<16x64xf32>
    %add3A_50 = arith.constant 9.99999974E-6 : f32
    %add3A_51 = vector.broadcast %add3A_50 : f32 to vector<1x64xf32>
    %add3A_52 = arith.addf %div3A_44, %add3A_51 : vector<1x64xf32>
    %sqrt3A = math.sqrt %add3A_52 : vector<1x64xf32>
    %div3A_53 = vector.broadcast %sqrt3A : vector<1x64xf32> to vector<16x64xf32>
    %div3A_54 = arith.divf %mul3A_49, %div3A_53 : vector<16x64xf32>
    %get3A_55 = arith.constant 0 : index
    %get3A_56 = arith.constant 0 : index
    %get3A_57 = vector.load %arg8[%get3A_55, %get3A_56] : memref<8x64xf32, #tpu.memory_space<vmem>>, vector<1x64xf32>
    %add3A_58 = vector.broadcast %get3A_57 : vector<1x64xf32> to vector<16x64xf32>
    %add3A_59 = arith.addf %div3A_54, %add3A_58 : vector<16x64xf32>
    %get3A_60 = arith.constant 0 : index
    %get3A_61 = arith.constant 0 : index
    %get3A_62 = vector.load %arg9[%get3A_60, %get3A_61] : memref<64x10xf32, #tpu.memory_space<vmem>>, vector<64x10xf32>
    %dot_general3A_63 = arith.constant dense<0.000000e+00> : vector<16x10xf32>
    %dot_general3A_64 = tpu.matmul %add3A_59, %get3A_62, %dot_general3A_63 {dimension_numbers = #tpu.dot_dimension_numbers<[1], [0], [0], [1], [0, 0, 1, 1], [], []>, transpose_lhs_hint = false} : vector<16x64xf32>, vector<64x10xf32>, vector<16x10xf32> -> vector<16x10xf32>
    %get3A_65 = arith.constant 0 : index
    %get3A_66 = arith.constant 0 : index
    %get3A_67 = vector.load %arg10[%get3A_65, %get3A_66] : memref<8x16xf32, #tpu.memory_space<vmem>>, vector<1x10xf32>
    %add3A_68 = vector.broadcast %get3A_67 : vector<1x10xf32> to vector<16x10xf32>
    %add3A_69 = arith.addf %dot_general3A_64, %add3A_68 : vector<16x10xf32>
    %max3A_70 = arith.constant 0.000000e+00 : f32
    %max3A_71 = vector.broadcast %max3A_70 : f32 to vector<16x10xf32>
    %max3A_72 = arith.maximumf %add3A_69, %max3A_71 : vector<16x10xf32>
    %abs3A = math.absf %add3A_69 : vector<16x10xf32>
    %neg3A = arith.constant 0.000000e+00 : f32
    %neg3A_73 = vector.broadcast %neg3A : f32 to vector<16x10xf32>
    %neg3A_74 = arith.subf %neg3A_73, %abs3A : vector<16x10xf32>
    %exp3A = math.exp %neg3A_74 : vector<16x10xf32>
    %log1p3A = math.log1p %exp3A : vector<16x10xf32>
    %add3A_75 = arith.addf %max3A_72, %log1p3A : vector<16x10xf32>
    %swap3A = arith.constant 0 : index
    %swap3A_76 = arith.constant 0 : index
    %swap3A_77 = vector.load %arg11[%swap3A, %swap3A_76] : memref<16x10xf32, #tpu.memory_space<vmem>>, vector<16x10xf32>
    tpu.vector_store %arg11[%swap3A, %swap3A_76], %add3A_75 {strides = array<i32>} : memref<16x10xf32, #tpu.memory_space<vmem>>, vector<16x10xf32>,
    return
  }
}

</mosaic_0001>

<sc_bundles>
// kernel: kernel.10.cloned.1.call-start
scs
__scs_entry_jumppad:
0x0: {  	(pc) =	sbr.rel $0x88, $3  }
0x1: {  	(tag) =	ssettag $0x0;
	lr =	simm.s32 $0x1  }
0x2: {  	[smem:$0x3F8B] =	sst lr;
	_ =	strace $0xD0000000  }
0x3: {  	_ = 	snop  }
0x4: {  	_ = 	snop  }
0x5: {  	_ = 	snop  }
0x6: {  	_ = 	snop  }
0x7: {  	_ = 	snop  }
__scs_overlays_trampoline_lowered:
0x8: {  	[smem:$0x3F9A] =	sst s0  }
0x9: {  	[smem:$0x3F9B] =	sst s1  }
0xa: {  	[smem:$0x3F9C] =	sst s2  }
0xb: {  	[smem:$0x3F9D] =	sst s3  }
0xc: {  	[smem:$0x3F9E] =	sst s4  }
0xd: {  	[smem:$0x3F9F] =	sst s5  }
0xe: {  	[smem:$0x3FA0] =	sst s6  }
0xf: {  	[smem:$0x3FA1] =	sst s7  }
0x10: {  	[smem:$0x3FA2] =	sst s8  }
0x11: {  	[smem:$0x3FA3] =	sst s9;
	s0 =	simm.s32 @!p0 $0x0  }
0x12: {  	s1 =	sld [smem:$0x3F89];
	s0 =	simm.s32 @p0 $0x1  }
0x13: {  	[smem:$0x3FA4] =	sst s0;
	s0 =	simm.s32 @!p1 $0x0  }
0x14: {  	s2 =	sld [smem:$0x3F88];
	s0 =	simm.s32 @p1 $0x1  }
0x15: {  	[smem:$0x3FA5] =	sst s0;
	s0 =	simm.s32 @!p2 $0x0  }
0x16: {  	s3 =	sld [smem:$0x3FDB];
	s0 =	simm.s32 @p2 $0x1  }
0x17: {  	s4 =	simm.s32 $0x1BF5;
	[smem:$0x3FA7] =	sst s0  }
0x18: {  	s0 =	sld [smem:$0x3F8A];
	_ =	swait.ge [sflag:s4], $0x0  }
0x19: {  	s7 =	sld [smem:$0x3F8B]  }
0x1a: {  	s8 =	sadd.s32 $0xFFFFE003, lr  }
0x1b: {  	s9 =	sadd.s32 $0xFFFFFEF7, lr;
	s5 =	simm.s32 $0xFFFFFFFF;
	p2 =	slt.u32 s8, $0xFFFFF086  }
0x1c: {  	p1 =	slt.u32 s9, $0xF7A;
	s5 =	simm.s32 @!p2 $0x0  }
0x1d: {  	s5 =	simm.s32 @p1 $0x1;
	p0 =	seq.s32 s7, s2  }
0x1e: {  	s7 =	smul.u32 @!p0 $0xF7A, s2;
	p2 =	seq.s32 @!p0 s5, $0x0  }
0x1f: {  	s9 =	smul.u32 $0xF7A, s1;
	s8 =	simm.s32 @!p0 $0x1BF5;
	p2 =	por !p2, p0  }
0x20: {  	[sflag:s8] =	ssyncset.s32 @!p0 $0xFFFFF086;
	s6 =	sadd.s32 @!p0 s3, s7;
	s7 =	simm.s32 @!p0 $0x108  }
0x21: {  	s3 =	sadd.s32 s3, s9;
	s6 =	sadd.s32 @!p0 $0x88, s6;
	s7 =	simm.s32 @p2 $0x1082  }
0x22: {  	[simem:s7], [sflag:s8] =	dma.local @!p0 [hbm:s6], $0xF7A  }
0x23: {  	s9 =	sor.u32 $0xD0000000, s2;
	s6 =	simm.s32 $0x108;
	_ =	swait.ge @!p0 [sflag:s8], $0x0  }
0x24: {  	s3 =	sadd.s32 $0x88, s3;
	s6 =	simm.s32 @!p1 $0x1082;
	[sflag:s4] =	ssyncset.s32 $0xFFFFF086  }
0x25: {  	[simem:s6], [sflag:s4] =	dma.local [hbm:s3], $0xF7A  }
0x26: {  	[smem:$0x3F8B] =	sst s1;
	(tag) =	ssettag s2;
	_ =	strace s9  }
0x27: {  	s1 =	sld [smem:$0x3F9B]  }
0x28: {  	s2 =	sld [smem:$0x3F9C]  }
0x29: {  	s4 =	sld [smem:$0x3F9E]  }
0x2a: {  	p0 =	seq.s32 s5, $0x0;
	s5 =	sld [smem:$0x3F9F]  }
0x2b: {  	s6 =	sld [smem:$0x3FA0]  }
0x2c: {  	s7 =	sld [smem:$0x3FA1]  }
0x2d: {  	s3 =	simm.s32 $0x108;
	s8 =	sld [smem:$0x3FA2]  }
0x2e: {  	s3 =	simm.s32 @!p0 $0x1082;
	s9 =	sld [smem:$0x3FA3]  }
0x2f: {  	lr =	sadd.s32 s0, s3;
	s0 =	sld [smem:$0x3F9A]  }
0x30: {  	s3 =	sld [smem:$0x3F9D]  }
0x31: {  	[smem:$0x3FA6] =	sst s10  }
0x32: {  	s10 =	sld [smem:$0x3FA4];
	_ =	sdelay $0x3  }
0x33: {  	p0 =	seq.s32 s10, $0x1;
	s10 =	sld [smem:$0x3FA6];
	_ =	sdelay $0x3  }
0x34: {  	[smem:$0x3FA6] =	sst s10  }
0x35: {  	s10 =	sld [smem:$0x3FA5];
	_ =	sdelay $0x3  }
0x36: {  	p1 =	seq.s32 s10, $0x1;
	s10 =	sld [smem:$0x3FA6];
	_ =	sdelay $0x3  }
0x37: {  	[smem:$0x3FA6] =	sst s10  }
0x38: {  	s10 =	sld [smem:$0x3FA7]  }
0x39: {  	_ = 	snop;
	(pc) =	sbr.ind lr, $3  }
0x3a: {  	_ = 	snop  }
0x3b: {  	_ = 	snop  }
0x3c: {  	p2 =	seq.s32 s10, $0x1;
	s10 =	sld [smem:$0x3FA6]  }
0x3d: {  	_ =	shalt  }
0x3e: {  	_ =	shalt  }
0x3f: {  	_ =	shalt  }
0x40: {  	_ =	shalt  }
0x41: {  	_ =	shalt  }
0x42: {  	_ =	shalt  }
0x43: {  	_ =	shalt  }
0x44: {  	_ =	shalt  }
0x45: {  	_ =	shalt  }
0x46: {  	_ =	shalt  }
0x47: {  	_ =	shalt  }
0x48: {  	_ =	shalt  }
0x49: {  	_ =	shalt  }
0x4a: {  	_ =	shalt  }
0x4b: {  	_ =	shalt  }
0x4c: {  	_ =	shalt  }
0x4d: {  	_ =	shalt  }
0x4e: {  	_ =	shalt  }
0x4f: {  	_ =	shalt  }
0x50: {  	_ =	shalt  }
0x51: {  	_ =	shalt  }
0x52: {  	_ =	shalt  }
0x53: {  	_ =	shalt  }
0x54: {  	_ =	shalt  }
0x55: {  	_ =	shalt  }
0x56: {  	_ =	shalt  }
0x57: {  	_ =	shalt  }
0x58: {  	_ =	shalt  }
0x59: {  	_ =	shalt  }
0x5a: {  	_ =	shalt  }
0x5b: {  	_ =	shalt  }
0x5c: {  	_ =	shalt  }
0x5d: {  	_ =	shalt  }
0x5e: {  	_ =	shalt  }
0x5f: {  	_ =	shalt  }
0x60: {  	_ =	shalt  }
0x61: {  	_ =	shalt  }
0x62: {  	_ =	shalt  }
0x63: {  	_ =	shalt  }
0x64: {  	_ =	shalt  }
0x65: {  	_ =	shalt  }
0x66: {  	_ =	shalt  }
0x67: {  	_ =	shalt  }
0x68: {  	_ =	shalt  }
0x69: {  	_ =	shalt  }
0x6a: {  	_ =	shalt  }
0x6b: {  	_ =	shalt  }
0x6c: {  	_ =	shalt  }
0x6d: {  	_ =	shalt  }
0x6e: {  	_ =	shalt  }
0x6f: {  	_ =	shalt  }
0x70: {  	_ =	shalt  }
0x71: {  	_ =	shalt  }
0x72: {  	_ =	shalt  }
0x73: {  	_ =	shalt  }
0x74: {  	_ =	shalt  }
0x75: {  	_ =	shalt  }
0x76: {  	_ =	shalt  }
0x77: {  	_ =	shalt  }
0x78: {  	_ =	shalt  }
0x79: {  	_ =	shalt  }
0x7a: {  	_ =	shalt  }
0x7b: {  	_ =	shalt  }
0x7c: {  	_ =	shalt  }
0x7d: {  	_ =	shalt  }
0x7e: {  	_ =	shalt  }
0x7f: {  	_ =	shalt  }
0x80: {  	_ =	shalt  }
0x81: {  	_ =	shalt  }
0x82: {  	_ =	shalt  }
0x83: {  	_ =	shalt  }
0x84: {  	_ =	shalt  }
0x85: {  	_ =	shalt  }
0x86: {  	_ =	shalt  }
0x87: {  	_ =	shalt  }
.Lfunc_end0:
.L_simem_size_0:
called_computation_lowered:
.L_overlay_start_0:
0x88: {  	s2 =	sld [smem:$0x3FD9]  }
0x89: {  	s3 =	sld [smem:$0x3FFE];
	_ =	sdelay $0x1  }
0x8a: {  	s1 =	srdreg.scid  }
0x8b: {  	s0 =	sand.u32 $0x1, s1  }
0x8c: {  	s16 =	sshll.u32 s0, $0xA;
	s2 =	sadd.s32 s3, s2  }
0x8d: {  	s2 =	sadd.s32 s2, s16  }
0x8e: {  	[smem:$0x3FB2] =	sst s2  }
0x8f: {  	_ = 	snop  }
0x90: {  	(tm) =	ssettm $0x1  }
0x91: {  	s17 =	sld [smem:$0x3FFB];
	_ =	sdelay $0x3  }
0x92: {  	_ =	strace s17  }
0x93: {  	s2 =	sld [smem:$0x3FFC];
	_ =	sdelay $0x3  }
0x94: {  	_ =	strace s2  }
0x95: {  	s2 =	sld [smem:$0x3FFD];
	_ =	sdelay $0x3  }
0x96: {  	_ =	strace s2  }
0x97: {  	_ =	strace $0x8FFFFFFF  }
0x98: {  	s18 =	sld [smem:$0x3FDB];
	_ =	sdelay $0x1  }
0x99: {  	s19 =	simm.s32 $_scs_section_size  }
0x9a: {  	s4 =	simm.s32 $_size__tile_overlayer_lowered;
	s5 =	simm.s32 $_tile_overlayer_lowered  }
0x9b: {  	s22 =	simm.s32 $0x1BFF;
	s21 =	sshll.u32 s5, $0x1;
	s2 =	sadd.s32 s19, s18  }
0x9c: {  	s6 =	simm.s32 $0x0;
	s20 =	sshll.u32 s4, $0x1;
	s4 =	sadd.s32 s21, s2  }
0x9d: {  	[timem:s6], [sflag:s22] =	dma.local [hbm:s4], s20  }
0x9e: {  	_ =	swait.ge [sflag:s22], s20  }
0x9f: {  	s3 =	ssub.s32 $0x0, s20;
	[sflag:s22] =	ssyncset.done $0x0  }
0xa0: {  	[sflag:s22] =	ssyncadd.s32 s3;
	_ =	sdelay $0x1  }
0xa1: {  	s23 =	simm.s32 $0x1B8B  }
0xa2: {  	_ =	swait.ge [sflag:s23], $0x1  }
0xa3: {  	[sflag:s23] =	ssyncset.done $0x0  }
0xa4: {  	s25 =	simm.s32 $0x1B8E;
	s24 =	sld [smem:$0x3FFE];
	[sflag:s23] =	ssyncadd.s32 $0xFFFFFFFF  }
0xa5: {  	s26 =	simm.s32 $execute0_lowered;
	[smem:$0x3FD2] =	sst s25  }
0xa6: {  	s4 =	sshll.u32 s26, $0x1;
	_ =	strace $0x80000046;
	[dreg:$0x1] =	wrdreg $0xFFFFFFFF  }
0xa7: {  	s28 =	simm.s32 $_size_execute0_lowered;
	s2 =	sadd.s32 s2, s4;
	[dreg:$0x0] =	wrdreg $0x0  }
0xa8: {  	s4 =	sshll.u32 s28, $0x1;
	[dreg:$0x2] =	wrdreg s2  }
0xa9: {  	[dreg:$0x3] =	wrdreg s4  }
0xaa: {  	[dreg:$0x4] =	wrdreg $0xC0  }
0xab: {  	_ =	task [dreg:s6], $0x5FFFF  }
0xac: {  	[dreg:$0x1] =	wrdreg $0xFFFFFFFF  }
0xad: {  	[dreg:$0x0] =	wrdreg $0x60  }
0xae: {  	[dreg:$0x2] =	wrdreg s24  }
0xaf: {  	[dreg:$0x3] =	wrdreg $0x9  }
0xb0: {  	_ =	task.clear_ibuf [dreg:s6], $0x4FFFF;
	_ =	strace $0x90000046  }
0xb1: {  	s29 =	simm.s32 $0x9;
	_ =	strace $0x80000048  }
0xb2: {  	_ =	swait.ge [sflag:s29], $0x1  }
0xb3: {  	[sflag:s29] =	ssyncadd.s32 $0xFFFFFFFF  }
0xb4: {  	_ =	strace $0x90000048  }
0xb5: {  	_ =	sfence  }
0xb6: {  	s30 =	sld [smem:$0x0];
	_ =	sdelay $0x2  }
0xb7: {  	s31 =	sshll.u32 s1, $0xD;
	s1 =	sshrl.u32 s1, $0x2  }
0xb8: {  	s3 =	sand.u32 $0x4000, s31;
	s1 =	sadd.s32 s1, s30  }
0xb9: {  	s0 =	sor.u32 s3, s0;
	s1 =	sshll.u32 s1, $0x11  }
0xba: {  	s0 =	sor.u32 s1, s0  }
0xbb: {  	s0 =	sadd.s32 $0x8F2B, s0  }
0xbc: {  	[sflag:s0] =	ssyncadd.remote.s32 $0x1  }
0xbd: {  	_ =	sfence.sel $0xFFFF  }
0xbe: {  	[dreg:$0x0] =	wrdreg $0xFFFFFFFF;
	(pc) =	sbr.abs _section_cstart, $3  }
0xbf: {  	[dreg:$0x1] =	wrdreg $0xFFFFFFFF  }
0xc0: {  	_ =	task.clear_ibuf [dreg:s6], $0x2FFFF;
	_ =	strace $0x9FFFFFFF  }
0xc1: {  	(tm) =	ssettm $0x7FFFFFFF  }
tec
execute0_lowered:
.L_overlay_start_1:
0x0: {  	(tag) =	ssettag $0x1  }
0x1: {  	s8 =	rddreg [dreg:$0x0]  }
0x2: {  	s0 =	rddreg [dreg:$0x1]  }
0x3: {  	s1 =	simm.s32 $0x0;
	s6 =	srdreg.scid;
	s2 =	stileid.u32  }
0x4: {  	s13 =	simm.s32 $0x80;
	s14 =	simm.s32 $0x100;
	s15 =	simm.s32 $0x2100  }
0x5: {  	s16 =	simm.s32 $0x2900;
	s17 =	simm.s32 $0x1;
	s18 =	simm.s32 $0x2  }
0x6: {  	s19 =	simm.s32 $0x3;
	s20 =	simm.s32 $0x0;
	[smem:$0x7FF] =	sst s1  }
0x7: {  	s3 =	sadd.s32 $0x1B800, s8;
	s4 =	sadd.s32 $0x16800, s8;
	s5 =	sadd.s32 $0x2C00, s8  }
0x8: {  	s9 =	sand.u32 $0x1, s6;
	s6 =	sadd.s32 $0xCA00, s8;
	s11 =	sshll.u32 s2, $0x1  }
0x9: {  	s7 =	sadd.s32 $0xCB600, s8;
	s8 =	sadd.s32 $0x2F200, s8;
	s10 =	ssub.s32 $0x2, s9  }
0xa: {  	_ =	strace $0x80000047;
	s9 =	sor.u32 s9, s11;
	s12 =	sshrl.u32 s10, $0x1  }
0xb: {  	s31 =	ssub.s32 $0x9E3, s9;
	s9 =	sshll.u32 s9, $0x7;
	s30 =	ssub.s32 s10, s12  }
0xc: {  	s10 =	sshrl.u32 s31, $0x5;
	s12 =	simm.s32 $0x4;
	s11 =	smax.u32 s30, $0x1  }
.LBB2_1:
0xd: {  	s21 =	simm.s32 $0x0  }
.LBB2_2:
0xe: {  	s22 =	sshll.u32 s21, $0xC  }
0xf: {  	s22 =	sor.u32 s9, s22  }
0x10: {  	s23 =	sshrl.u32 s22, $0x3  }
0x11: {  	s25 =	simm.s32 $0x0;
	s24 =	sadd.s32 s5, s23  }
0x12: {  	[tilespmem:s25], [sflag:$0x4] =	stream.linear.gather [hbm4b:s24+s25], $0x80, $0x38;
	[tilespmem:$0x3100] =	vst v63  }
0x13: {  	_ =	swait.ge [sflag:s12], $0x80  }
0x14: {  	[sflag:s12] =	ssyncset.done $0x0  }
0x15: {  	s23 =	sadd.s32 s6, s23;
	[sflag:s12] =	ssyncadd.s32 $0xFFFFFF80  }
0x16: {  	[tilespmem:s13], [sflag:$0x4] =	stream.linear.gather [hbm4b:s23+s25], $0x80, $0x38;
	[tilespmem:$0x3100] =	vst v63  }
0x17: {  	_ =	swait.ge [sflag:s12], $0x80  }
0x18: {  	[sflag:s12] =	ssyncset.done $0x0  }
0x19: {  	[sflag:s12] =	ssyncadd.s32 $0xFFFFFF80  }
0x1a: {  	[tilespmem:s14], [sflag:$0x1] =	stream.indirect.gather [hbm4b:s3+s13], $0x40, s25, s13, $0xb8;
	[tilespmem:$0x3100] =	vst v63  }
0x1b: {  	_ = 	snop  }
0x1c: {  	[tilespmem:s15], [sflag:$0x2] =	stream.indirect.gather [hbm4b:s4+s13], $0x10, s25, s13, $0xb8;
	[tilespmem:$0x3100] =	vst v63  }
0x1d: {  	_ = 	snop  }
0x1e: {  	[tilespmem:s16], [sflag:$0x3] =	stream.indirect.gather [hbm4b:s4+s13], $0x10, s13, s13, $0xb8;
	[tilespmem:$0x3100] =	vst v63  }
0x1f: {  	_ =	swait.ge [sflag:s17], $0x2000  }
0x20: {  	[sflag:s17] =	ssyncset.done $0x0  }
0x21: {  	[sflag:s17] =	ssyncadd.s32 $0xFFFFE000  }
0x22: {  	_ =	swait.ge [sflag:s18], $0x800  }
0x23: {  	[sflag:s18] =	ssyncset.done $0x0  }
0x24: {  	[sflag:s18] =	ssyncadd.s32 $0xFFFFF800  }
0x25: {  	_ =	swait.ge [sflag:s19], $0x800  }
0x26: {  	[sflag:s19] =	ssyncset.done $0x0  }
0x27: {  	s23 =	simm.s32 $0x0;
	[sflag:s19] =	ssyncadd.s32 $0xFFFFF800  }
0x28: {  	s24 =	simm.s32 $0x40;
	v0 =	vld [tilespmem:s23+$0x2900]  }
.LBB2_3:
0x29: {  	p0 =	sne.s32 s24, $0x1FC0;
	v1 =	vld [tilespmem:s23+$0x2100];
	_ =	sdelay $0x2  }
.Ltmp0:
0x2a: {  	(pc) =	sbr.rel @p0 .LBB2_3-.Ltmp0, $4  }
0x2b: {  	_ = 	snop  }
0x2c: {  	v1 =	vsub.f32 v1, v0  }
0x2d: {  	s25 =	sshra.s32 s24, $0x2  }
0x2e: {  	s24 =	sadd.s32 $0x40, s24;
	v0 =	vld [tilespmem:s25+$0x2900];
	[tilespmem:s23+$0x2100] =	vst v1;
	s23 =	smov.u32 s25  }
0x2f: {  	v1 =	vld [tilespmem:s23+$0x2100];
	_ =	sdelay $0x4  }
0x30: {  	s24 =	sshll.u32 s22, $0x3;
	v0 =	vsub.f32 v1, v0  }
0x31: {  	s24 =	sand.u32 $0x1FFFFC00, s24  }
0x32: {  	s30 =	sadd.s32 s7, s24;
	[tilespmem:s23+$0x2100] =	vst v0  }
0x33: {  	[hbm4b:s30+s1] =	stream.linear.scatter [tilespmem:s14], [sflag:$0x4], $0x2000, $0x38;
	[tilespmem:$0x3100] =	vst v63  }
0x34: {  	s31 =	sshll.u32 s22, $0x1;
	s21 =	sadd.s32 $0x1, s21;
	_ =	swait.ge [sflag:s12], $0x2000  }
0x35: {  	s22 =	sand.u32 $0x1FFFFF00, s31;
	p0 =	sne.s32 s21, s10;
	[sflag:s12] =	ssyncset.done $0x0  }
.Ltmp1:
0x36: {  	s22 =	sadd.s32 s8, s22;
	[sflag:s12] =	ssyncadd.s32 $0xFFFFE000;
	(pc) =	sbr.rel @p0 .LBB2_2-.Ltmp1, $4  }
0x37: {  	[hbm4b:s22+s1] =	stream.linear.scatter [tilespmem:s15], [sflag:$0x4], $0x800, $0x38;
	[tilespmem:$0x3100] =	vst v63  }
0x38: {  	_ =	swait.ge [sflag:s12], $0x800  }
0x39: {  	[sflag:s12] =	ssyncset.done $0x0  }
0x3a: {  	[sflag:s12] =	ssyncadd.s32 $0xFFFFF800  }
0x3b: {  	s20 =	sadd.s32 $0x1, s20  }
0x3c: {  	p0 =	sne.s32 s20, s11  }
.Ltmp2:
0x3d: {  	_ = 	snop;
	(pc) =	sbr.rel @p0 .LBB2_1-.Ltmp2, $1  }
0x3e: {  	_ =	sdelay $0x3  }
0x3f: {  	_ =	sfence.sel $0x180000  }
0x40: {  	[bflag:$0x0] =	sbarrier.arrive $0xFFFF  }
0x41: {  	p0 =	sne.s32 s2, $0x0;
	_ =	strace $0x90000047  }
0x42: {  	s0 =	sadd.s32 @!p0 $0x100000, s0;
	[bflag:$0x2] =	sbarrier.arrive $0xFFFF  }
0x43: {  	[sflag:s0] =	ssyncadd.tile.s32 @!p0 $0x1;
	_ =	shalt  }
.Lfunc_end2:
_tile_overlayer_lowered:
.L_overlay_start_2:
0x44: {  	(tag) =	ssettag $0x2  }
0x45: {  	s0 =	rddreg [dreg:$0x0];
	s2 =	stileid.u32  }
0x46: {  	s1 =	rddreg [dreg:$0x1];
	p0 =	sne.s32 s2, $0x0  }
0x47: {  	s3 =	rddreg [dreg:$0x2];
	[bflag:$0x3] =	sbarrier.arrive $0xFFFF;
	s2 =	simm.s32 @!p0 $0x1C04  }
0x48: {  	[timem:s3], [sflag:s2] =	dma.local @!p0 [hbm:s0], s1  }
0x49: {  	s0 =	simm.s32 @!p0 $0x4  }
0x4a: {  	_ =	swait.ge @!p0 [sflag:s0], s1  }
0x4b: {  	s1 =	ssub.s32 @!p0 $0x0, s1;
	[sflag:s0] =	ssyncset.done @!p0 $0x0  }
0x4c: {  	[sflag:s0] =	ssyncadd.s32 @!p0 s1  }
0x4d: {  	[bflag:$0x3] =	sbarrier.arrive $0xFFFF  }
0x4e: {  	_ =	shalt  }

// kernel: kernel.13.cloned.1.call-start
scs
__scs_entry_jumppad:
0x0: {  	(pc) =	sbr.rel $0x88, $3  }
0x1: {  	(tag) =	ssettag $0x0;
	lr =	simm.s32 $0x1  }
0x2: {  	[smem:$0x3F8B] =	sst lr;
	_ =	strace $0xD0000000  }
0x3: {  	_ = 	snop  }
0x4: {  	_ = 	snop  }
0x5: {  	_ = 	snop  }
0x6: {  	_ = 	snop  }
0x7: {  	_ = 	snop  }
__scs_overlays_trampoline_lowered:
0x8: {  	[smem:$0x3F9A] =	sst s0  }
0x9: {  	[smem:$0x3F9B] =	sst s1  }
0xa: {  	[smem:$0x3F9C] =	sst s2  }
0xb: {  	[smem:$0x3F9D] =	sst s3  }
0xc: {  	[smem:$0x3F9E] =	sst s4  }
0xd: {  	[smem:$0x3F9F] =	sst s5  }
0xe: {  	[smem:$0x3FA0] =	sst s6  }
0xf: {  	[smem:$0x3FA1] =	sst s7  }
0x10: {  	[smem:$0x3FA2] =	sst s8  }
0x11: {  	[smem:$0x3FA3] =	sst s9;
	s0 =	simm.s32 @!p0 $0x0  }
0x12: {  	s1 =	sld [smem:$0x3F89];
	s0 =	simm.s32 @p0 $0x1  }
0x13: {  	[smem:$0x3FA4] =	sst s0;
	s0 =	simm.s32 @!p1 $0x0  }
0x14: {  	s2 =	sld [smem:$0x3F88];
	s0 =	simm.s32 @p1 $0x1  }
0x15: {  	[smem:$0x3FA5] =	sst s0;
	s0 =	simm.s32 @!p2 $0x0  }
0x16: {  	s3 =	sld [smem:$0x3FDB];
	s0 =	simm.s32 @p2 $0x1  }
0x17: {  	s4 =	simm.s32 $0x1BF5;
	[smem:$0x3FA7] =	sst s0  }
0x18: {  	s0 =	sld [smem:$0x3F8A];
	_ =	swait.ge [sflag:s4], $0x0  }
0x19: {  	s7 =	sld [smem:$0x3F8B]  }
0x1a: {  	s8 =	sadd.s32 $0xFFFFE003, lr  }
0x1b: {  	s9 =	sadd.s32 $0xFFFFFEF7, lr;
	s5 =	simm.s32 $0xFFFFFFFF;
	p2 =	slt.u32 s8, $0xFFFFF086  }
0x1c: {  	p1 =	slt.u32 s9, $0xF7A;
	s5 =	simm.s32 @!p2 $0x0  }
0x1d: {  	s5 =	simm.s32 @p1 $0x1;
	p0 =	seq.s32 s7, s2  }
0x1e: {  	s7 =	smul.u32 @!p0 $0xF7A, s2;
	p2 =	seq.s32 @!p0 s5, $0x0  }
0x1f: {  	s9 =	smul.u32 $0xF7A, s1;
	s8 =	simm.s32 @!p0 $0x1BF5;
	p2 =	por !p2, p0  }
0x20: {  	[sflag:s8] =	ssyncset.s32 @!p0 $0xFFFFF086;
	s6 =	sadd.s32 @!p0 s3, s7;
	s7 =	simm.s32 @!p0 $0x108  }
0x21: {  	s3 =	sadd.s32 s3, s9;
	s6 =	sadd.s32 @!p0 $0x88, s6;
	s7 =	simm.s32 @p2 $0x1082  }
0x22: {  	[simem:s7], [sflag:s8] =	dma.local @!p0 [hbm:s6], $0xF7A  }
0x23: {  	s9 =	sor.u32 $0xD0000000, s2;
	s6 =	simm.s32 $0x108;
	_ =	swait.ge @!p0 [sflag:s8], $0x0  }
0x24: {  	s3 =	sadd.s32 $0x88, s3;
	s6 =	simm.s32 @!p1 $0x1082;
	[sflag:s4] =	ssyncset.s32 $0xFFFFF086  }
0x25: {  	[simem:s6], [sflag:s4] =	dma.local [hbm:s3], $0xF7A  }
0x26: {  	[smem:$0x3F8B] =	sst s1;
	(tag) =	ssettag s2;
	_ =	strace s9  }
0x27: {  	s1 =	sld [smem:$0x3F9B]  }
0x28: {  	s2 =	sld [smem:$0x3F9C]  }
0x29: {  	s4 =	sld [smem:$0x3F9E]  }
0x2a: {  	p0 =	seq.s32 s5, $0x0;
	s5 =	sld [smem:$0x3F9F]  }
0x2b: {  	s6 =	sld [smem:$0x3FA0]  }
0x2c: {  	s7 =	sld [smem:$0x3FA1]  }
0x2d: {  	s3 =	simm.s32 $0x108;
	s8 =	sld [smem:$0x3FA2]  }
0x2e: {  	s3 =	simm.s32 @!p0 $0x1082;
	s9 =	sld [smem:$0x3FA3]  }
0x2f: {  	lr =	sadd.s32 s0, s3;
	s0 =	sld [smem:$0x3F9A]  }
0x30: {  	s3 =	sld [smem:$0x3F9D]  }
0x31: {  	[smem:$0x3FA6] =	sst s10  }
0x32: {  	s10 =	sld [smem:$0x3FA4];
	_ =	sdelay $0x3  }
0x33: {  	p0 =	seq.s32 s10, $0x1;
	s10 =	sld [smem:$0x3FA6];
	_ =	sdelay $0x3  }
0x34: {  	[smem:$0x3FA6] =	sst s10  }
0x35: {  	s10 =	sld [smem:$0x3FA5];
	_ =	sdelay $0x3  }
0x36: {  	p1 =	seq.s32 s10, $0x1;
	s10 =	sld [smem:$0x3FA6];
	_ =	sdelay $0x3  }
0x37: {  	[smem:$0x3FA6] =	sst s10  }
0x38: {  	s10 =	sld [smem:$0x3FA7]  }
0x39: {  	_ = 	snop;
	(pc) =	sbr.ind lr, $3  }
0x3a: {  	_ = 	snop  }
0x3b: {  	_ = 	snop  }
0x3c: {  	p2 =	seq.s32 s10, $0x1;
	s10 =	sld [smem:$0x3FA6]  }
0x3d: {  	_ =	shalt  }
0x3e: {  	_ =	shalt  }
0x3f: {  	_ =	shalt  }
0x40: {  	_ =	shalt  }
0x41: {  	_ =	shalt  }
0x42: {  	_ =	shalt  }
0x43: {  	_ =	shalt  }
0x44: {  	_ =	shalt  }
0x45: {  	_ =	shalt  }
0x46: {  	_ =	shalt  }
0x47: {  	_ =	shalt  }
0x48: {  	_ =	shalt  }
0x49: {  	_ =	shalt  }
0x4a: {  	_ =	shalt  }
0x4b: {  	_ =	shalt  }
0x4c: {  	_ =	shalt  }
0x4d: {  	_ =	shalt  }
0x4e: {  	_ =	shalt  }
0x4f: {  	_ =	shalt  }
0x50: {  	_ =	shalt  }
0x51: {  	_ =	shalt  }
0x52: {  	_ =	shalt  }
0x53: {  	_ =	shalt  }
0x54: {  	_ =	shalt  }
0x55: {  	_ =	shalt  }
0x56: {  	_ =	shalt  }
0x57: {  	_ =	shalt  }
0x58: {  	_ =	shalt  }
0x59: {  	_ =	shalt  }
0x5a: {  	_ =	shalt  }
0x5b: {  	_ =	shalt  }
0x5c: {  	_ =	shalt  }
0x5d: {  	_ =	shalt  }
0x5e: {  	_ =	shalt  }
0x5f: {  	_ =	shalt  }
0x60: {  	_ =	shalt  }
0x61: {  	_ =	shalt  }
0x62: {  	_ =	shalt  }
0x63: {  	_ =	shalt  }
0x64: {  	_ =	shalt  }
0x65: {  	_ =	shalt  }
0x66: {  	_ =	shalt  }
0x67: {  	_ =	shalt  }
0x68: {  	_ =	shalt  }
0x69: {  	_ =	shalt  }
0x6a: {  	_ =	shalt  }
0x6b: {  	_ =	shalt  }
0x6c: {  	_ =	shalt  }
0x6d: {  	_ =	shalt  }
0x6e: {  	_ =	shalt  }
0x6f: {  	_ =	shalt  }
0x70: {  	_ =	shalt  }
0x71: {  	_ =	shalt  }
0x72: {  	_ =	shalt  }
0x73: {  	_ =	shalt  }
0x74: {  	_ =	shalt  }
0x75: {  	_ =	shalt  }
0x76: {  	_ =	shalt  }
0x77: {  	_ =	shalt  }
0x78: {  	_ =	shalt  }
0x79: {  	_ =	shalt  }
0x7a: {  	_ =	shalt  }
0x7b: {  	_ =	shalt  }
0x7c: {  	_ =	shalt  }
0x7d: {  	_ =	shalt  }
0x7e: {  	_ =	shalt  }
0x7f: {  	_ =	shalt  }
0x80: {  	_ =	shalt  }
0x81: {  	_ =	shalt  }
0x82: {  	_ =	shalt  }
0x83: {  	_ =	shalt  }
0x84: {  	_ =	shalt  }
0x85: {  	_ =	shalt  }
0x86: {  	_ =	shalt  }
0x87: {  	_ =	shalt  }
.Lfunc_end0:
.L_simem_size_0:
called_computation.1_lowered:
.L_overlay_start_0:
0x88: {  	s2 =	sld [smem:$0x3FD9]  }
0x89: {  	s3 =	sld [smem:$0x3FFE];
	_ =	sdelay $0x1  }
0x8a: {  	s1 =	srdreg.scid  }
0x8b: {  	s0 =	sand.u32 $0x1, s1  }
0x8c: {  	s16 =	sshll.u32 s0, $0xA;
	s2 =	sadd.s32 s3, s2  }
0x8d: {  	s2 =	sadd.s32 s2, s16  }
0x8e: {  	[smem:$0x3FB2] =	sst s2  }
0x8f: {  	_ = 	snop  }
0x90: {  	(tm) =	ssettm $0x1  }
0x91: {  	s17 =	sld [smem:$0x3FFB];
	_ =	sdelay $0x3  }
0x92: {  	_ =	strace s17  }
0x93: {  	s2 =	sld [smem:$0x3FFC];
	_ =	sdelay $0x3  }
0x94: {  	_ =	strace s2  }
0x95: {  	s2 =	sld [smem:$0x3FFD];
	_ =	sdelay $0x3  }
0x96: {  	_ =	strace s2  }
0x97: {  	_ =	strace $0x8FFFFFFF  }
0x98: {  	s18 =	sld [smem:$0x3FDB];
	_ =	sdelay $0x1  }
0x99: {  	s19 =	simm.s32 $_scs_section_size  }
0x9a: {  	s4 =	simm.s32 $_size__tile_overlayer_lowered;
	s5 =	simm.s32 $_tile_overlayer_lowered  }
0x9b: {  	s22 =	simm.s32 $0x1BFF;
	s21 =	sshll.u32 s5, $0x1;
	s2 =	sadd.s32 s19, s18  }
0x9c: {  	s6 =	simm.s32 $0x0;
	s20 =	sshll.u32 s4, $0x1;
	s4 =	sadd.s32 s21, s2  }
0x9d: {  	[timem:s6], [sflag:s22] =	dma.local [hbm:s4], s20  }
0x9e: {  	_ =	swait.ge [sflag:s22], s20  }
0x9f: {  	s3 =	ssub.s32 $0x0, s20;
	[sflag:s22] =	ssyncset.done $0x0  }
0xa0: {  	[sflag:s22] =	ssyncadd.s32 s3;
	_ =	sdelay $0x1  }
0xa1: {  	s23 =	simm.s32 $0x1B8B  }
0xa2: {  	_ =	swait.ge [sflag:s23], $0x1  }
0xa3: {  	[sflag:s23] =	ssyncset.done $0x0  }
0xa4: {  	s25 =	simm.s32 $0x1B8E;
	s24 =	sld [smem:$0x3FFE];
	[sflag:s23] =	ssyncadd.s32 $0xFFFFFFFF  }
0xa5: {  	s26 =	simm.s32 $execute0_lowered;
	[smem:$0x3FD2] =	sst s25  }
0xa6: {  	s4 =	sshll.u32 s26, $0x1;
	_ =	strace $0x80000049;
	[dreg:$0x1] =	wrdreg $0xFFFFFFFF  }
0xa7: {  	s28 =	simm.s32 $_size_execute0_lowered;
	s2 =	sadd.s32 s2, s4;
	[dreg:$0x0] =	wrdreg $0x0  }
0xa8: {  	s4 =	sshll.u32 s28, $0x1;
	[dreg:$0x2] =	wrdreg s2  }
0xa9: {  	[dreg:$0x3] =	wrdreg s4  }
0xaa: {  	[dreg:$0x4] =	wrdreg $0xC0  }
0xab: {  	_ =	task [dreg:s6], $0x5FFFF  }
0xac: {  	[dreg:$0x1] =	wrdreg $0xFFFFFFFF  }
0xad: {  	[dreg:$0x0] =	wrdreg $0x60  }
0xae: {  	[dreg:$0x2] =	wrdreg s24  }
0xaf: {  	[dreg:$0x3] =	wrdreg $0x9  }
0xb0: {  	_ =	task.clear_ibuf [dreg:s6], $0x4FFFF;
	_ =	strace $0x90000049  }
0xb1: {  	s29 =	simm.s32 $0x9;
	_ =	strace $0x8000004B  }
0xb2: {  	_ =	swait.ge [sflag:s29], $0x1  }
0xb3: {  	[sflag:s29] =	ssyncadd.s32 $0xFFFFFFFF  }
0xb4: {  	_ =	strace $0x9000004B  }
0xb5: {  	_ =	sfence  }
0xb6: {  	s30 =	sld [smem:$0x0];
	_ =	sdelay $0x2  }
0xb7: {  	s31 =	sshll.u32 s1, $0xD;
	s1 =	sshrl.u32 s1, $0x2  }
0xb8: {  	s3 =	sand.u32 $0x4000, s31;
	s1 =	sadd.s32 s1, s30  }
0xb9: {  	s0 =	sor.u32 s3, s0;
	s1 =	sshll.u32 s1, $0x11  }
0xba: {  	s0 =	sor.u32 s1, s0  }
0xbb: {  	s0 =	sadd.s32 $0x8F2B, s0  }
0xbc: {  	[sflag:s0] =	ssyncadd.remote.s32 $0x1  }
0xbd: {  	_ =	sfence.sel $0xFFFF  }
0xbe: {  	[dreg:$0x0] =	wrdreg $0xFFFFFFFF;
	(pc) =	sbr.abs _section_cstart, $3  }
0xbf: {  	[dreg:$0x1] =	wrdreg $0xFFFFFFFF  }
0xc0: {  	_ =	task.clear_ibuf [dreg:s6], $0x2FFFF;
	_ =	strace $0x9FFFFFFF  }
0xc1: {  	(tm) =	ssettm $0x7FFFFFFF  }
tec
execute0_lowered:
.L_overlay_start_1:
0x0: {  	(tag) =	ssettag $0x1  }
0x1: {  	s6 =	rddreg [dreg:$0x0]  }
0x2: {  	s0 =	rddreg [dreg:$0x1]  }
0x3: {  	s3 =	srdreg.scid;
	s1 =	stileid.u32  }
0x4: {  	s2 =	simm.s32 $0x0;
	s15 =	simm.s32 $0x1;
	s16 =	simm.s32 $0x80  }
0x5: {  	s17 =	simm.s32 $0x400;
	s18 =	simm.s32 $0x500;
	s19 =	simm.s32 $0xA00  }
0x6: {  	s20 =	simm.s32 $0xF00;
	s21 =	simm.s32 $0x1400;
	s22 =	simm.s32 $0xB700  }
0x7: {  	s23 =	simm.s32 $0x1900;
	s24 =	simm.s32 $0x4080;
	s25 =	simm.s32 $0x6800  }
0x8: {  	s4 =	sand.u32 $0x1, s3;
	s5 =	smul.u32 $0x13C00, s1;
	[smem:$0x7FF] =	sst s2  }
0x9: {  	s26 =	simm.s32 $0x8F80;
	s3 =	sshll.u32 s4, $0x9;
	_ =	strace $0x8000004A  }
0xa: {  	s7 =	ssub.s32 $0x2, s4;
	s4 =	sadd.s32 $0xD00E00, s6;
	s5 =	sor.u32 s3, s5  }
.Ltmp0:
0xb: {  	s9 =	sshrl.u32 s7, $0x1;
	s8 =	sshrl.u32 s5, $0x3;
	(pc) =	sbr.rel .LBB2_1-.Ltmp0, $4  }
0xc: {  	s5 =	sadd.s32 $0xCA00, s6;
	s14 =	ssub.s32 s7, s9;
	s7 =	sor.u32 $0x80, s3  }
0xd: {  	s9 =	sor.u32 $0x180, s3;
	s13 =	sadd.s32 s8, s6;
	s6 =	smul.u32 $0x271000, s1  }
0xe: {  	s8 =	sor.u32 $0x100, s3;
	s14 =	smax.u32 s14, $0x1;
	s10 =	sadd.s32 $0x16800, s13  }
0xf: {  	v0 =	vimm.f32 $-1.000000000e+00;
	v1 =	vlaneseq.u32;
	s11 =	sadd.s32 $0x16810, s13;
	s12 =	sadd.s32 $0x16820, s13;
	s13 =	sadd.s32 $0x16830, s13  }
.LBB2_9:
0x10: {  	[hbm4b:s10+s16] =	stream.strided.scatter [tilespmem:s23], [sflag:$0x1], $0x2780, s17, s16, $0x38;
	[tilespmem:$0xDE80] =	vst v63  }
0x11: {  	_ =	swait.ge [sflag:s15], $0x2780  }
0x12: {  	[sflag:s15] =	ssyncset.done $0x0  }
0x13: {  	[sflag:s15] =	ssyncadd.s32 $0xFFFFD880  }
0x14: {  	[hbm4b:s11+s16] =	stream.strided.scatter [tilespmem:s24], [sflag:$0x1], $0x2780, s17, s16, $0x38;
	[tilespmem:$0xDE80] =	vst v63  }
0x15: {  	_ =	swait.ge [sflag:s15], $0x2780  }
0x16: {  	[sflag:s15] =	ssyncset.done $0x0  }
0x17: {  	[sflag:s15] =	ssyncadd.s32 $0xFFFFD880  }
0x18: {  	[hbm4b:s12+s16] =	stream.strided.scatter [tilespmem:s25], [sflag:$0x1], $0x2780, s17, s16, $0x38;
	[tilespmem:$0xDE80] =	vst v63  }
0x19: {  	s2 =	sadd.s32 $0x1, s2;
	_ =	swait.ge [sflag:s15], $0x2780  }
0x1a: {  	p0 =	sne.s32 s2, s14;
	[sflag:s15] =	ssyncset.done $0x0  }
.Ltmp1:
0x1b: {  	[sflag:s15] =	ssyncadd.s32 $0xFFFFD880;
	(pc) =	sbr.rel @!p0 .LBB2_10-.Ltmp1, $4  }
0x1c: {  	[hbm4b:s13+s16] =	stream.strided.scatter [tilespmem:s26], [sflag:$0x1], $0x2780, s17, s16, $0x38;
	[tilespmem:$0xDE80] =	vst v63  }
0x1d: {  	_ =	swait.ge [sflag:s15], $0x2780  }
0x1e: {  	[sflag:s15] =	ssyncset.done $0x0  }
0x1f: {  	[sflag:s15] =	ssyncadd.s32 $0xFFFFD880  }
.LBB2_1:
0x20: {  	s28 =	simm.s32 $0x40;
	s29 =	simm.s32 $0x0  }
.LBB2_2:
0x21: {  	p0 =	sne.s32 s28, $0x9C00;
	[tilespmem:s29+$0x8F80] =	vst v0;
	s30 =	smov.u32 s28;
	s28 =	sadd.s32 $0x40, s28  }
.Ltmp2:
0x22: {  	[tilespmem:s29+$0x6800] =	vst v0;
	(pc) =	sbr.rel @p0 .LBB2_2-.Ltmp2, $3  }
0x23: {  	[tilespmem:s29+$0x1900] =	vst v0  }
0x24: {  	[tilespmem:s29+$0x4080] =	vst v0;
	_ =	sdelay $0x1  }
0x25: {  	s29 =	sshra.s32 s30, $0x2  }
.Ltmp3:
0x26: {  	(pc) =	sbr.rel .LBB2_4-.Ltmp3, $4  }
0x27: {  	[tilespmem:s29+$0x8F80] =	vst v0  }
0x28: {  	[tilespmem:s29+$0x6800] =	vst v0  }
0x29: {  	[tilespmem:s29+$0x1900] =	vst v0  }
0x2a: {  	s28 =	simm.s32 $0x0;
	[tilespmem:s29+$0x4080] =	vst v0;
	s29 =	simm.s32 $0x0  }
.LBB2_8:
0x2b: {  	s29 =	sadd.s32 $0x1, s29  }
0x2c: {  	p0 =	sne.s32 s29, $0xFA  }
.Ltmp4:
0x2d: {  	_ = 	snop;
	(pc) =	sbr.rel @!p0 .LBB2_9-.Ltmp4, $1  }
0x2e: {  	_ =	sdelay $0x3  }
.LBB2_4:
0x2f: {  	s30 =	smul.u32 $0xA0, s29;
	_ =	sdelay $0x1  }
0x30: {  	s31 =	smul.u32 $0x2800, s29;
	s30 =	sadd.s32 s5, s30  }
0x31: {  	[tilespmem:s28], [sflag:$0x1] =	stream.linear.gather [hbm4b:s30+s28], $0x500, $0x38;
	[tilespmem:$0xDE80] =	vst v63  }
0x32: {  	s30 =	sadd.s32 s6, s31  }
0x33: {  	_ =	swait.ge [sflag:s15], $0x500;
	s31 =	sor.u32 s3, s30  }
0x34: {  	[sflag:s15] =	ssyncset.done $0x0;
	s31 =	sshrl.u32 s31, $0x3  }
0x35: {  	[sflag:s15] =	ssyncadd.s32 $0xFFFFFB00;
	s31 =	sadd.s32 s4, s31  }
0x36: {  	[tilespmem:s18], [sflag:$0x1] =	stream.strided.gather [hbm4b:s31+s16], $0x500, s17, s16, $0x38;
	[tilespmem:$0xDE80] =	vst v63  }
0x37: {  	s31 =	sor.u32 s7, s30;
	_ =	swait.ge [sflag:s15], $0x500  }
0x38: {  	s31 =	sshrl.u32 s31, $0x3;
	[sflag:s15] =	ssyncset.done $0x0  }
0x39: {  	s31 =	sadd.s32 s4, s31;
	[sflag:s15] =	ssyncadd.s32 $0xFFFFFB00  }
0x3a: {  	[tilespmem:s19], [sflag:$0x1] =	stream.strided.gather [hbm4b:s31+s16], $0x500, s17, s16, $0x38;
	[tilespmem:$0xDE80] =	vst v63  }
0x3b: {  	s31 =	sor.u32 s8, s30;
	_ =	swait.ge [sflag:s15], $0x500  }
0x3c: {  	s31 =	sshrl.u32 s31, $0x3;
	[sflag:s15] =	ssyncset.done $0x0  }
0x3d: {  	s31 =	sadd.s32 s4, s31;
	[sflag:s15] =	ssyncadd.s32 $0xFFFFFB00  }
0x3e: {  	[tilespmem:s20], [sflag:$0x1] =	stream.strided.gather [hbm4b:s31+s16], $0x500, s17, s16, $0x38;
	[tilespmem:$0xDE80] =	vst v63  }
0x3f: {  	s30 =	sor.u32 s9, s30;
	_ =	swait.ge [sflag:s15], $0x500  }
0x40: {  	s30 =	sshrl.u32 s30, $0x3;
	[sflag:s15] =	ssyncset.done $0x0  }
.Ltmp5:
0x41: {  	s30 =	sadd.s32 s4, s30;
	[sflag:s15] =	ssyncadd.s32 $0xFFFFFB00;
	(pc) =	sbr.rel .LBB2_5-.Ltmp5, $4  }
0x42: {  	[tilespmem:s21], [sflag:$0x1] =	stream.strided.gather [hbm4b:s30+s16], $0x500, s17, s16, $0x38;
	[tilespmem:$0xDE80] =	vst v63  }
0x43: {  	_ =	swait.ge [sflag:s15], $0x500  }
0x44: {  	[sflag:s15] =	ssyncset.done $0x0  }
0x45: {  	s30 =	simm.s32 $0x0;
	[sflag:s15] =	ssyncadd.s32 $0xFFFFFB00  }
.LBB2_7:
0x46: {  	s30 =	sadd.s32 $0x1, s30  }
0x47: {  	p0 =	sne.s32 s30, $0x50  }
.Ltmp6:
0x48: {  	_ = 	snop;
	(pc) =	sbr.rel @!p0 .LBB2_8-.Ltmp6, $1  }
0x49: {  	_ =	sdelay $0x3  }
.LBB2_5:
0x4a: {  	s31 =	sshll.u32 s30, $0x4  }
0x4b: {  	v2 =	vld [tilespmem:s31+$0x0];
	_ =	sdelay $0x4  }
0x4c: {  	v3 =	vld [tilespmem:s31+$0x500]  }
0x4d: {  	v4 =	vld [tilespmem:s31+$0xA00]  }
0x4e: {  	v5 =	vld [tilespmem:s31+$0xF00]  }
0x4f: {  	v6 =	vld [tilespmem:s31+$0x1400];
	[tilespmem:v2+s22+$0x0] =	vst.idx.msk $0xffff, v1  }
0x50: {  	v7 =	vld.idx.msk [tilespmem:v2+s22+$0x0], $0xffff;
	_ =	sdelay $0x4  }
0x51: {  	vm0 =	vne.s32 v7, v1  }
0x52: {  	v8 =	vmpcnt.ones.xlane vm0;
	_ =	sdelay $0x1  }
0x53: {  	(v2sf) =	vpush v8, $0x0;
	_ =	sdelay $0xe  }
0x54: {  	s31 =	spop (v2sf)  }
0x55: {  	p0 =	slt.s32 s31, $0x1  }
0x56: {  	v8 =	vimm.s32 @!p0 $0x0  }
0x57: {  	vm1 =	veq.s32 v7, v1;
	v7 =	vsel @!p0 vm0, $0x1, v8  }
0x58: {  	v8 =	vor.u32 @!p0 $0x80000000, v7  }
0x59: {  	(xrf0) =	vmax.scan.msk.u32 @!p0 $0xffff, v8  }
0x5a: {  	v9 =	vld.idx.msk [tilespmem:v2+s23+$0x0], $0xffff;
	_ =	sdelay $0x4  }
0x5b: {  	v8 =	vmax.f32 v9, v3;
	v9, _, _ =	vpop @!p0 (xrf0)  }
0x5c: {  	(v2sf) =	vpush @!p0 v9, $0xF  }
0x5d: {  	[tilespmem:v2+s23+$0x0] =	vst.idx.msk vm1, v8  }
0x5e: {  	v8 =	vld.idx.msk [tilespmem:v2+s24+$0x0], $0xffff;
	_ =	sdelay $0x4  }
0x5f: {  	v8 =	vmax.f32 v8, v4  }
0x60: {  	[tilespmem:v2+s24+$0x0] =	vst.idx.msk vm1, v8  }
0x61: {  	v8 =	vld.idx.msk [tilespmem:v2+s25+$0x0], $0xffff;
	_ =	sdelay $0x4  }
0x62: {  	v8 =	vmax.f32 v8, v5  }
0x63: {  	[tilespmem:v2+s25+$0x0] =	vst.idx.msk vm1, v8;
	s31 =	spop @!p0 (v2sf)  }
0x64: {  	v8 =	vld.idx.msk [tilespmem:v2+s26+$0x0], $0xffff;
	p1 =	slt.u32 @!p0 s31, $0x80000001  }
0x65: {  	p0 =	por p0, p1  }
.Ltmp7:
0x66: {  	_ = 	snop;
	(pc) =	sbr.rel @p0 .LBB2_7-.Ltmp7, $3  }
0x67: {  	_ =	sdelay $0x1  }
0x68: {  	v8 =	vmax.f32 v8, v6  }
0x69: {  	[tilespmem:v2+s26+$0x0] =	vst.idx.msk vm1, v8  }
.LBB2_6:
0x6a: {  	vm0 =	vne.s32 v7, $0x0;
	_ =	sdelay $0x5  }
0x6b: {  	[tilespmem:v2+s22+$0x0] =	vst.idx.msk vm0, v1  }
0x6c: {  	v8 =	vld.idx.msk [tilespmem:v2+s22+$0x0], $0xffff;
	_ =	sdelay $0x4  }
0x6d: {  	vm1 =	veq.s32 v8, v1  }
0x6e: {  	v7 =	vsel vm1, $0x0, v7  }
0x6f: {  	v9 =	vor.u32 $0x80000000, v7  }
0x70: {  	(xrf0) =	vmax.scan.msk.u32 $0xffff, v9  }
0x71: {  	v8 =	vld.idx.msk [tilespmem:v2+s23+$0x0], $0xffff;
	vm0 =	vmand vm0, vm1;
	_ =	sdelay $0x4  }
0x72: {  	v8 =	vmax.f32 v8, v3;
	v9, _, _ =	vpop (xrf0)  }
0x73: {  	[tilespmem:v2+s23+$0x0] =	vst.idx.msk vm0, v8;
	(v2sf) =	vpush v9, $0xF  }
0x74: {  	v8 =	vld.idx.msk [tilespmem:v2+s24+$0x0], $0xffff;
	_ =	sdelay $0x4  }
0x75: {  	v8 =	vmax.f32 v8, v4  }
0x76: {  	[tilespmem:v2+s24+$0x0] =	vst.idx.msk vm0, v8  }
0x77: {  	v8 =	vld.idx.msk [tilespmem:v2+s25+$0x0], $0xffff;
	_ =	sdelay $0x4  }
0x78: {  	v8 =	vmax.f32 v8, v5  }
0x79: {  	[tilespmem:v2+s25+$0x0] =	vst.idx.msk vm0, v8  }
0x7a: {  	v8 =	vld.idx.msk [tilespmem:v2+s26+$0x0], $0xffff;
	s31 =	spop (v2sf)  }
0x7b: {  	p0 =	sgt.u32 s31, $0x80000000  }
.Ltmp8:
0x7c: {  	_ = 	snop;
	(pc) =	sbr.rel @p0 .LBB2_6-.Ltmp8, $3  }
0x7d: {  	_ =	sdelay $0x1  }
0x7e: {  	v8 =	vmax.f32 v8, v6  }
0x7f: {  	[tilespmem:v2+s26+$0x0] =	vst.idx.msk vm0, v8  }
.Ltmp9:
0x80: {  	_ = 	snop;
	(pc) =	sbr.rel .LBB2_7-.Ltmp9, $1  }
0x81: {  	_ =	sdelay $0x3  }
.LBB2_10:
0x82: {  	_ =	sfence.sel $0x180000  }
0x83: {  	[bflag:$0x0] =	sbarrier.arrive $0xFFFF  }
0x84: {  	p0 =	sne.s32 s1, $0x0;
	_ =	strace $0x9000004A  }
0x85: {  	s0 =	sadd.s32 @!p0 $0x100000, s0;
	[bflag:$0x2] =	sbarrier.arrive $0xFFFF  }
0x86: {  	[sflag:s0] =	ssyncadd.tile.s32 @!p0 $0x1;
	_ =	shalt  }
.Lfunc_end2:
_tile_overlayer_lowered:
.L_overlay_start_2:
0x87: {  	(tag) =	ssettag $0x2  }
0x88: {  	s0 =	rddreg [dreg:$0x0];
	s2 =	stileid.u32  }
0x89: {  	s1 =	rddreg [dreg:$0x1];
	p0 =	sne.s32 s2, $0x0  }
0x8a: {  	s3 =	rddreg [dreg:$0x2];
	[bflag:$0x3] =	sbarrier.arrive $0xFFFF;
	s2 =	simm.s32 @!p0 $0x1C01  }
0x8b: {  	[timem:s3], [sflag:s2] =	dma.local @!p0 [hbm:s0], s1  }
0x8c: {  	s0 =	simm.s32 @!p0 $0x1  }
0x8d: {  	_ =	swait.ge @!p0 [sflag:s0], s1  }
0x8e: {  	s1 =	ssub.s32 @!p0 $0x0, s1;
	[sflag:s0] =	ssyncset.done @!p0 $0x0  }
0x8f: {  	[sflag:s0] =	ssyncadd.s32 @!p0 s1  }
0x90: {  	[bflag:$0x3] =	sbarrier.arrive $0xFFFF  }
0x91: {  	_ =	shalt  }

</sc_bundles>
